<compile_context>
chip_gen: v7x
topology: tpu7x:2x2x1
jax: 0.10.2.dev20260603
libtpu: 0.0.44.dev20260713+nightly
codegen_flags: <defaults>
</compile_context>

<pallas_src>
import functools

import jax
import jax.numpy as jnp
from jax import lax
from jax.experimental import pallas as pl
from jax.experimental.pallas import tpu as pltpu
from jax.experimental.pallas import tpu_sc as plsc

NUM_CODEBOOKS = 4
CODEBOOK_SIZE = 1024
LATENT_DIM = 128
SUB_DIM = LATENT_DIM // NUM_CODEBOOKS
COMMIT_W = 0.25
CODEBOOK_W = 1.0
USAGE_W = 0.1

TILE = 512

_SC_INFO = plsc.get_sparse_core_info()
_SC_NW = _SC_INFO.num_cores * _SC_INFO.num_subcores
_GB = 8192 * 4 // _SC_NW


@functools.partial(
    pl.kernel,
    mesh=plsc.VectorSubcoreMesh(core_axis_name="c", subcore_axis_name="s"),
    compiler_params=pltpu.CompilerParams(use_tc_tiling_on_sc=False),
    out_type=jax.ShapeDtypeStruct((8192 * 4, SUB_DIM), jnp.float32),
    scratch_types=[
        pltpu.VMEM((_GB,), jnp.int32),
        pltpu.VMEM((_GB, SUB_DIM), jnp.float32),
        pltpu.SemaphoreType.DMA,
    ],
)
def _sc_gather(table_hbm, idx_hbm, out_hbm, idx_v, rows_v, sem):
    wid = (lax.axis_index("s") * _SC_INFO.num_cores + lax.axis_index("c"))
    base = wid * _GB
    pltpu.sync_copy(idx_hbm.at[pl.ds(base, _GB)], idx_v)
    pltpu.async_copy(table_hbm.at[idx_v], rows_v, sem).wait()
    pltpu.sync_copy(rows_v, out_hbm.at[pl.ds(base, _GB)])


_DN_T = (((1,), (1,)), ((), ()))
_DN = (((1,), (0,)), ((), ()))
_DN_C0 = (((0,), (0,)), ((), ()))


def _codec_kernel(lat_ref, mask_ref, cb_ref,
                  probs_ref, fids_ref, ids_ref, stats_ref,
                  cb2_ref, e2_ref, probsum_ref, sse_ref):
    t = pl.program_id(0)
    nt = pl.num_programs(0)

    @pl.when(t == 0)
    def _init():
        ones_row = jnp.ones((1, SUB_DIM), jnp.float32)
        cb2_ref[...] = cb_ref[...] * 2.0
        for ii in range(NUM_CODEBOOKS):
            e = cb_ref[ii]
            e2_ref[ii, :, :] = lax.dot_general(
                ones_row, e * e, _DN_T, preferred_element_type=jnp.float32)
        probsum_ref[...] = jnp.zeros_like(probsum_ref)
        sse_ref[...] = jnp.zeros_like(sse_ref)

    mask = mask_ref[0]
    iota = lax.broadcasted_iota(jnp.int32, (TILE, CODEBOOK_SIZE), 1)
    ones_col = jnp.ones((SUB_DIM, 1), jnp.float32)
    ones_tile = jnp.ones((1, TILE), jnp.float32)

    ids_cols = []
    fid_cols = []
    for i in range(NUM_CODEBOOKS):
        x = lat_ref[:, i * SUB_DIM:(i + 1) * SUB_DIM]
        e = cb_ref[i]
        x2 = lax.dot_general(x * x, ones_col, _DN,
                             preferred_element_type=jnp.float32)
        d = (x2 + e2_ref[i]) - lax.dot_general(
            x, cb2_ref[i], _DN_T, preferred_element_type=jnp.float32)
        dmin = jnp.min(d, axis=1, keepdims=True)
        ids = jnp.min(jnp.where(d == dmin, iota, CODEBOOK_SIZE),
                      axis=1, keepdims=True)
        ids_cols.append(ids)
        fid_cols.append(ids + (i * CODEBOOK_SIZE))

        p = jnp.exp(dmin - d)
        p = p / jnp.sum(p, axis=1, keepdims=True)
        probs_ref[:, i, :] = p

        soft = lax.dot_general(p, e, _DN,
                               preferred_element_type=jnp.float32)
        err = x - soft
        sse_ref[0:1, i:i + 1] += jnp.sum(
            jnp.sum(err * err, axis=1, keepdims=True), axis=0, keepdims=True)
        probsum_ref[i:i + 1, :] += jnp.sum(p, axis=0, keepdims=True)

    ids_ref[...] = jnp.concatenate(ids_cols, axis=1)
    fids_ref[...] = jnp.concatenate(fid_cols, axis=1)
    sse_ref[0:1, NUM_CODEBOOKS:NUM_CODEBOOKS + 1] += (
        jnp.sum(mask, axis=0, keepdims=True))

    @pl.when(t == nt - 1)
    def _finalize():
        ones_out = jnp.ones((1, 128), jnp.float32)
        msum = jnp.maximum(sse_ref[0:1, NUM_CODEBOOKS:NUM_CODEBOOKS + 1], 1.0)
        ap = probsum_ref[...] / msum
        log_cb = jnp.log(jnp.float32(CODEBOOK_SIZE))
        urow = jnp.sum(ap * (jnp.log(jnp.maximum(ap, 1e-8)) + log_cb),
                       axis=1, keepdims=True)
        usage = jnp.sum(urow, axis=0, keepdims=True)
        usage_loss = usage * (USAGE_W / NUM_CODEBOOKS)
        ent = jnp.sum(ap * jnp.log(ap + 1e-8), axis=1, keepdims=True)
        perp = (jnp.sum(jnp.exp(-ent), axis=0, keepdims=True)
                / NUM_CODEBOOKS)
        sse_tot = (sse_ref[0:1, 0:1] + sse_ref[0:1, 1:2]
                   + sse_ref[0:1, 2:3] + sse_ref[0:1, 3:4])
        n_tok = nt * TILE
        mse = sse_tot / (NUM_CODEBOOKS * n_tok * SUB_DIM)
        stats_ref[0:1, :] = (mse * COMMIT_W) * ones_out
        stats_ref[1:2, :] = (mse * CODEBOOK_W) * ones_out
        stats_ref[2:3, :] = usage_loss * ones_out
        stats_ref[3:4, :] = perp * ones_out


@functools.partial(jax.jit, static_argnames=())
def kernel(latents, patch_mask, codebooks):
    B, P, D = latents.shape
    N = B * P
    G = N // TILE
    lat2 = latents.reshape(N, D)
    mask3 = patch_mask.reshape(G, TILE, 1)

    out_shapes = (
        jax.ShapeDtypeStruct((N, NUM_CODEBOOKS, CODEBOOK_SIZE), jnp.float32),
        jax.ShapeDtypeStruct((N, NUM_CODEBOOKS), jnp.int32),
        jax.ShapeDtypeStruct((N, NUM_CODEBOOKS), jnp.int32),
        jax.ShapeDtypeStruct((4, 128), jnp.float32),
    )
    probs, fids, ids, stats = pl.pallas_call(
        _codec_kernel,
        grid=(G,),
        in_specs=[
            pl.BlockSpec((TILE, D), lambda t: (t, 0)),
            pl.BlockSpec((1, TILE, 1), lambda t: (t, 0, 0)),
            pl.BlockSpec((NUM_CODEBOOKS, CODEBOOK_SIZE, SUB_DIM),
                         lambda t: (0, 0, 0)),
        ],
        out_specs=(
            pl.BlockSpec((TILE, NUM_CODEBOOKS, CODEBOOK_SIZE),
                         lambda t: (t, 0, 0)),
            pl.BlockSpec((TILE, NUM_CODEBOOKS), lambda t: (t, 0)),
            pl.BlockSpec((TILE, NUM_CODEBOOKS), lambda t: (t, 0)),
            pl.BlockSpec((4, 128), lambda t: (0, 0)),
        ),
        out_shape=out_shapes,
        scratch_shapes=[
            pltpu.VMEM((NUM_CODEBOOKS, CODEBOOK_SIZE, SUB_DIM), jnp.float32),
            pltpu.VMEM((NUM_CODEBOOKS, 1, CODEBOOK_SIZE), jnp.float32),
            pltpu.VMEM((NUM_CODEBOOKS, CODEBOOK_SIZE), jnp.float32),
            pltpu.VMEM((1, 8), jnp.float32),
        ],
    )(lat2, mask3, codebooks)

    symbol_ids = ids.reshape(B, P, NUM_CODEBOOKS)
    hard_q = _sc_gather(codebooks.reshape(NUM_CODEBOOKS * CODEBOOK_SIZE,
                                          SUB_DIM),
                        fids.reshape(N * NUM_CODEBOOKS)).reshape(B, P, D)
    assignment_probs = probs.reshape(B, P, NUM_CODEBOOKS, CODEBOOK_SIZE)
    commitment_loss = stats[0, 0]
    codebook_loss = stats[1, 0]
    usage_loss = stats[2, 0]
    perplexity = stats[3, 0]
    return (symbol_ids, hard_q, hard_q, assignment_probs,
            commitment_loss, codebook_loss, usage_loss, perplexity)

# --- scband reference (transcript-rebuilt; emitter-appended) ---
"""Pipeline reference for scband-symbolic-codec-v5-59897613910106 (READ-ONLY COPY).

The authoritative reference and input builder live on the scoring server;
editing this copy changes nothing except your own understanding.
"""

import jax, jax.numpy as jnp
import numpy as np

NUM_CODEBOOKS = 4
CODEBOOK_SIZE = 1024
LATENT_DIM = 128
SUB_DIM = LATENT_DIM // NUM_CODEBOOKS
ASSIGN_TEMP = 1.0
COMMIT_W = 0.25
CODEBOOK_W = 1.0
USAGE_W = 0.1


def setup_inputs(seed: int = 0) -> dict:
    key = jax.random.key(seed)
    k1, k2 = jax.random.split(key)
    latents = jax.random.normal(k1, (8, 1024, LATENT_DIM), dtype=jnp.float32)
    patch_mask = jnp.ones((8, 1024), dtype=jnp.float32)
    bound = 1.0 / CODEBOOK_SIZE
    codebooks = jax.random.uniform(k2, (NUM_CODEBOOKS, CODEBOOK_SIZE, SUB_DIM), dtype=jnp.float32, minval=-bound, maxval=bound)
    return {"latents": latents, "patch_mask": patch_mask, "codebooks": codebooks}


def reference(latents, patch_mask, codebooks):
    B, P, D = latents.shape
    split = latents.reshape(B, P, NUM_CODEBOOKS, SUB_DIM)
    active = patch_mask[..., None]
    all_ids = []
    hard_chunks = []
    soft_chunks = []
    soft_assignments = []
    commit_losses = []
    cb_losses = []
    usage_losses = []
    perplexities = []
    for i in range(NUM_CODEBOOKS):
        sub_lat = split[:, :, i, :]
        flat = sub_lat.reshape(-1, SUB_DIM)
        entries = codebooks[i]
        distances = (jnp.sum(flat ** 2, axis=1, keepdims=True)
                     + jnp.sum(entries ** 2, axis=1)
                     - 2.0 * flat @ entries.T)
        ids = jnp.argmin(distances, axis=1).reshape(B, P)
        logits = -distances / ASSIGN_TEMP
        probs = jax.nn.softmax(logits, axis=-1).reshape(B, P, CODEBOOK_SIZE)
        hard_q = jnp.take(entries, ids, axis=0)
        soft_q = probs @ entries
        all_ids.append(ids)
        hard_chunks.append(hard_q)
        soft_chunks.append(soft_q)
        soft_assignments.append(probs)
        commit_losses.append(jnp.mean((sub_lat - jax.lax.stop_gradient(soft_q)) ** 2))
        cb_losses.append(jnp.mean((soft_q - jax.lax.stop_gradient(sub_lat)) ** 2))
        avg_probs = jnp.sum(probs * active, axis=(0, 1)) / jnp.maximum(jnp.sum(active), 1.0)
        usage_losses.append(jnp.sum(avg_probs * (jnp.log(jnp.maximum(avg_probs, 1e-08)) + jnp.log(jnp.float32(CODEBOOK_SIZE)))))
        perplexities.append(jnp.exp(-jnp.sum(avg_probs * jnp.log(avg_probs + 1e-08))))
    symbol_ids = jnp.stack(all_ids, axis=-1)
    hard_quantized = jnp.concatenate(hard_chunks, axis=-1)
    soft_quantized = jnp.concatenate(soft_chunks, axis=-1)
    st_quantized = hard_quantized + (soft_quantized - jax.lax.stop_gradient(soft_quantized))
    commitment_loss = jnp.mean(jnp.stack(commit_losses)) * COMMIT_W
    codebook_loss = jnp.mean(jnp.stack(cb_losses)) * CODEBOOK_W
    usage_loss = jnp.mean(jnp.stack(usage_losses)) * USAGE_W
    perplexity = jnp.mean(jnp.stack(perplexities))
    assignment_probs = jnp.stack(soft_assignments, axis=2)
    return (symbol_ids, hard_quantized, st_quantized, assignment_probs, commitment_loss, codebook_loss, usage_loss, perplexity)

if __name__ == "__main__":
    import jax
    _d = setup_inputs()
    print(jax.jit(kernel)(*tuple(_d.values())))

</pallas_src>

<mosaic_0001>
#map = affine_map<(d0, d1) -> (0, 0)>
#map1 = affine_map<(d0, d1) -> (0)>
module attributes {stable_mosaic.version = 14 : i64} {
  func.func @_sc_gather(%arg0: i32, %arg1: i32, %arg2: memref<4096x32xf32, #tpu.memory_space<hbm>>, %arg3: memref<32768xi32, #tpu.memory_space<hbm>>, %arg4: memref<32768x32xf32, #tpu.memory_space<hbm>>, %arg5: memref<1024xi32, #tpu.memory_space<vmem>>, %arg6: memref<1024x32xf32, #tpu.memory_space<vmem>>, %arg7: memref<!tpu.dma_semaphore, #tpu.memory_space<semaphore_mem>>) attributes {dimension_semantics = [#tpu.dimension_semantics<core_parallel>, #tpu.dimension_semantics<subcore_parallel>], iteration_bounds = array<i64: 2, 16>, scalar_prefetch = 0 : i64, scratch_operands = 3 : i64, tpu.core_type = #tpu.core_type<sc_vector_subcore>, window_params = [{transform_indices = #map}, {transform_indices = #map1}, {transform_indices = #map}]} {
    %mul3A = arith.constant 2 : i32
    %mul3A_0 = arith.muli %arg1, %mul3A : i32
    %add3A = arith.addi %mul3A_0, %arg0 : i32
    %mul3A_1 = arith.constant 1024 : i32
    %mul3A_2 = arith.muli %add3A, %mul3A_1 : i32
    "tpu.region"() ({
      %run_scoped3A = tpu.sem_alloc : memref<!tpu.dma_semaphore, #tpu.memory_space<semaphore_mem>>
      %dma_start3A_7 = tpu.memref_slice %arg3[%mul3A_2] : memref<32768xi32, #tpu.memory_space<hbm>> -> memref<1024xi32, #tpu.memory_space<hbm>>
      %dma_start3A_8 = tpu.memref_slice %arg3[%mul3A_2] : memref<32768xi32, #tpu.memory_space<hbm>> -> memref<1024xi32, #tpu.memory_space<hbm>>
      tpu.enqueue_dma source(%dma_start3A_8 : memref<1024xi32, #tpu.memory_space<hbm>>) target(%arg5 : memref<1024xi32, #tpu.memory_space<vmem>>) target_semaphore(%run_scoped3A : memref<!tpu.dma_semaphore, #tpu.memory_space<semaphore_mem>>)
      %dma_wait3A_9 = tpu.memref_slice %arg3[%mul3A_2] : memref<32768xi32, #tpu.memory_space<hbm>> -> memref<1024xi32, #tpu.memory_space<hbm>>
      %dma_wait3A_10 = tpu.memref_slice %arg3[%mul3A_2] : memref<32768xi32, #tpu.memory_space<hbm>> -> memref<1024xi32, #tpu.memory_space<hbm>>
      tpu.wait_dma2 semaphore(%run_scoped3A : memref<!tpu.dma_semaphore, #tpu.memory_space<semaphore_mem>>) src(%dma_wait3A_10 : memref<1024xi32, #tpu.memory_space<hbm>>) dst(%arg5 : memref<1024xi32, #tpu.memory_space<vmem>>)
      tpu.yield
    }) : () -> ()
    %dma_start3A = arith.constant 0 : i32
    %dma_start3A_3 = arith.constant 0 : i32
    %dma_start3A_4 = tpu.memref_slice %arg2[%dma_start3A, %dma_start3A_3] : memref<4096x32xf32, #tpu.memory_space<hbm>> -> memref<4096x32xf32, #tpu.memory_space<hbm>>
    tpu.enqueue_indirect_dma source(%dma_start3A_4 : memref<4096x32xf32, #tpu.memory_space<hbm>>) target(%arg6 : memref<1024x32xf32, #tpu.memory_space<vmem>>) offsets(%arg5 : memref<1024xi32, #tpu.memory_space<vmem>>) semaphore(%arg7 : memref<!tpu.dma_semaphore, #tpu.memory_space<semaphore_mem>>)
    %dma_wait3A = arith.constant 0 : i32
    %dma_wait3A_5 = arith.constant 0 : i32
    %dma_wait3A_6 = tpu.memref_slice %arg2[%dma_wait3A, %dma_wait3A_5] : memref<4096x32xf32, #tpu.memory_space<hbm>> -> memref<4096x32xf32, #tpu.memory_space<hbm>>
    tpu.wait_indirect_dma semaphore(%arg7 : memref<!tpu.dma_semaphore, #tpu.memory_space<semaphore_mem>>) src(%dma_wait3A_6 : memref<4096x32xf32, #tpu.memory_space<hbm>>) dst(%arg6 : memref<1024x32xf32, #tpu.memory_space<vmem>>)
    "tpu.region"() ({
      %run_scoped3A = tpu.sem_alloc : memref<!tpu.dma_semaphore, #tpu.memory_space<semaphore_mem>>
      %dma_start3A_7 = arith.constant 0 : i32
      %dma_start3A_8 = tpu.memref_slice %arg4[%mul3A_2, %dma_start3A_7] : memref<32768x32xf32, #tpu.memory_space<hbm>> -> memref<1024x32xf32, #tpu.memory_space<hbm>>
      %dma_start3A_9 = arith.constant 0 : i32
      %dma_start3A_10 = tpu.memref_slice %arg4[%mul3A_2, %dma_start3A_9] : memref<32768x32xf32, #tpu.memory_space<hbm>> -> memref<1024x32xf32, #tpu.memory_space<hbm>>
      tpu.enqueue_dma source(%arg6 : memref<1024x32xf32, #tpu.memory_space<vmem>>) target(%dma_start3A_10 : memref<1024x32xf32, #tpu.memory_space<hbm>>) target_semaphore(%run_scoped3A : memref<!tpu.dma_semaphore, #tpu.memory_space<semaphore_mem>>)
      %dma_wait3A_11 = arith.constant 0 : i32
      %dma_wait3A_12 = tpu.memref_slice %arg4[%mul3A_2, %dma_wait3A_11] : memref<32768x32xf32, #tpu.memory_space<hbm>> -> memref<1024x32xf32, #tpu.memory_space<hbm>>
      %dma_wait3A_13 = arith.constant 0 : i32
      %dma_wait3A_14 = tpu.memref_slice %arg4[%mul3A_2, %dma_wait3A_13] : memref<32768x32xf32, #tpu.memory_space<hbm>> -> memref<1024x32xf32, #tpu.memory_space<hbm>>
      tpu.wait_dma2 semaphore(%run_scoped3A : memref<!tpu.dma_semaphore, #tpu.memory_space<semaphore_mem>>) src(%arg6 : memref<1024x32xf32, #tpu.memory_space<vmem>>) dst(%dma_wait3A_14 : memref<1024x32xf32, #tpu.memory_space<hbm>>)
      tpu.yield
    }) : () -> ()
    return
  }
}

module attributes {stable_mosaic.version = 14 : i64} {
  func.func @_codec_kernel(%arg0: i32, %arg1: memref<512x128xf32, #tpu.memory_space<vmem>>, %arg2: memref<1x512x1xf32, #tpu.memory_space<vmem>>, %arg3: memref<4x1024x32xf32, #tpu.memory_space<vmem>>, %arg4: memref<512x4x1024xf32, #tpu.memory_space<vmem>>, %arg5: memref<512x4xi32, #tpu.memory_space<vmem>>, %arg6: memref<512x4xi32, #tpu.memory_space<vmem>>, %arg7: memref<4x128xf32, #tpu.memory_space<vmem>>, %arg8: memref<4x1024x32xf32, #tpu.memory_space<vmem>>, %arg9: memref<4x1x1024xf32, #tpu.memory_space<vmem>>, %arg10: memref<4x1024xf32, #tpu.memory_space<vmem>>, %arg11: memref<1x8xf32, #tpu.memory_space<vmem>>) attributes {dimension_semantics = [#tpu.dimension_semantics<arbitrary>], iteration_bounds = array<i64: 16>, scalar_prefetch = 0 : i64, scratch_operands = 4 : i64, tpu.core_type = #tpu.core_type<tc>, window_params = [{transform_indices = @transform_0, window_bounds = array<i64: 512, 128>}, {transform_indices = @transform_1, window_bounds = array<i64: 1, 512, 1>}, {pipeline_mode = #tpu.pipeline_mode<synchronous>, transform_indices = @transform_2, window_bounds = array<i64: 4, 1024, 32>}, {transform_indices = @transform_3, window_bounds = array<i64: 512, 4, 1024>}, {transform_indices = @transform_4, window_bounds = array<i64: 512, 4>}, {transform_indices = @transform_5, window_bounds = array<i64: 512, 4>}, {pipeline_mode = #tpu.pipeline_mode<synchronous>, transform_indices = @transform_6, window_bounds = array<i64: 4, 128>}]} {
    %eq3A = arith.constant 0 : i32
    %eq3A_0 = arith.cmpi eq, %arg0, %eq3A : i32
    %convert_element_type3A = arith.extui %eq3A_0 : i1 to i32
    %cond3A = arith.constant 0 : i32
    %cond3A_1 = arith.cmpi ne, %convert_element_type3A, %cond3A : i32
    scf.if %cond3A_1 {
      %broadcast_in_dim3A_346 = arith.constant 1.000000e+00 : f32
      %broadcast_in_dim3A_347 = vector.broadcast %broadcast_in_dim3A_346 : f32 to vector<1x32xf32>
      %get3A_348 = arith.constant 0 : index
      %get3A_349 = arith.constant 0 : index
      %get3A_350 = arith.constant 0 : index
      %get3A_351 = vector.load %arg3[%get3A_348, %get3A_349, %get3A_350] : memref<4x1024x32xf32, #tpu.memory_space<vmem>>, vector<4x1024x32xf32>
      %mul3A_352 = arith.constant 2.000000e+00 : f32
      %mul3A_353 = vector.broadcast %mul3A_352 : f32 to vector<4x1024x32xf32>
      %mul3A_354 = arith.mulf %get3A_351, %mul3A_353 : vector<4x1024x32xf32>
      %swap3A_355 = arith.constant 0 : index
      %swap3A_356 = arith.constant 0 : index
      %swap3A_357 = arith.constant 0 : index
      %swap3A_358 = vector.load %arg8[%swap3A_355, %swap3A_356, %swap3A_357] : memref<4x1024x32xf32, #tpu.memory_space<vmem>>, vector<4x1024x32xf32>
      tpu.vector_store %arg8[%swap3A_355, %swap3A_356, %swap3A_357], %mul3A_354 {strides = array<i32>} : memref<4x1024x32xf32, #tpu.memory_space<vmem>>, vector<4x1024x32xf32>,
      %get3A_359 = arith.constant 0 : index
      %get3A_360 = arith.constant 0 : index
      %get3A_361 = arith.constant 0 : index
      %get3A_362 = vector.load %arg3[%get3A_359, %get3A_360, %get3A_361] : memref<4x1024x32xf32, #tpu.memory_space<vmem>>, vector<1x1024x32xf32>
      %get3A_363 = vector.shape_cast %get3A_362 : vector<1x1024x32xf32> to vector<1024x32xf32>
      %mul3A_364 = arith.mulf %get3A_363, %get3A_363 : vector<1024x32xf32>
      %dot_general3A_365 = arith.constant dense<0.000000e+00> : vector<1x1024xf32>
      %dot_general3A_366 = tpu.matmul %broadcast_in_dim3A_347, %mul3A_364, %dot_general3A_365 {dimension_numbers = #tpu.dot_dimension_numbers<[1], [1], [0], [0], [0, 0, 1, 0], [], []>, transpose_lhs_hint = false} : vector<1x32xf32>, vector<1024x32xf32>, vector<1x1024xf32> -> vector<1x1024xf32>
      %swap3A_367 = arith.constant 0 : index
      %swap3A_368 = arith.constant 0 : index
      %swap3A_369 = arith.constant 0 : index
      %swap3A_370 = vector.load %arg9[%swap3A_367, %swap3A_368, %swap3A_369] : memref<4x1x1024xf32, #tpu.memory_space<vmem>>, vector<1x1x1024xf32>
      %swap3A_371 = vector.shape_cast %swap3A_370 : vector<1x1x1024xf32> to vector<1x1024xf32>
      %swap3A_372 = vector.shape_cast %dot_general3A_366 : vector<1x1024xf32> to vector<1x1x1024xf32>
      tpu.vector_store %arg9[%swap3A_367, %swap3A_368, %swap3A_369], %swap3A_372 {strides = array<i32>} : memref<4x1x1024xf32, #tpu.memory_space<vmem>>, vector<1x1x1024xf32>,
      %get3A_373 = arith.constant 1 : index
      %get3A_374 = arith.constant 0 : index
      %get3A_375 = arith.constant 0 : index
      %get3A_376 = vector.load %arg3[%get3A_373, %get3A_374, %get3A_375] : memref<4x1024x32xf32, #tpu.memory_space<vmem>>, vector<1x1024x32xf32>
      %get3A_377 = vector.shape_cast %get3A_376 : vector<1x1024x32xf32> to vector<1024x32xf32>
      %mul3A_378 = arith.mulf %get3A_377, %get3A_377 : vector<1024x32xf32>
      %dot_general3A_379 = arith.constant dense<0.000000e+00> : vector<1x1024xf32>
      %dot_general3A_380 = tpu.matmul %broadcast_in_dim3A_347, %mul3A_378, %dot_general3A_379 {dimension_numbers = #tpu.dot_dimension_numbers<[1], [1], [0], [0], [0, 0, 1, 0], [], []>, transpose_lhs_hint = false} : vector<1x32xf32>, vector<1024x32xf32>, vector<1x1024xf32> -> vector<1x1024xf32>
      %swap3A_381 = arith.constant 1 : index
      %swap3A_382 = arith.constant 0 : index
      %swap3A_383 = arith.constant 0 : index
      %swap3A_384 = vector.load %arg9[%swap3A_381, %swap3A_382, %swap3A_383] : memref<4x1x1024xf32, #tpu.memory_space<vmem>>, vector<1x1x1024xf32>
      %swap3A_385 = vector.shape_cast %swap3A_384 : vector<1x1x1024xf32> to vector<1x1024xf32>
      %swap3A_386 = vector.shape_cast %dot_general3A_380 : vector<1x1024xf32> to vector<1x1x1024xf32>
      tpu.vector_store %arg9[%swap3A_381, %swap3A_382, %swap3A_383], %swap3A_386 {strides = array<i32>} : memref<4x1x1024xf32, #tpu.memory_space<vmem>>, vector<1x1x1024xf32>,
      %get3A_387 = arith.constant 2 : index
      %get3A_388 = arith.constant 0 : index
      %get3A_389 = arith.constant 0 : index
      %get3A_390 = vector.load %arg3[%get3A_387, %get3A_388, %get3A_389] : memref<4x1024x32xf32, #tpu.memory_space<vmem>>, vector<1x1024x32xf32>
      %get3A_391 = vector.shape_cast %get3A_390 : vector<1x1024x32xf32> to vector<1024x32xf32>
      %mul3A_392 = arith.mulf %get3A_391, %get3A_391 : vector<1024x32xf32>
      %dot_general3A_393 = arith.constant dense<0.000000e+00> : vector<1x1024xf32>
      %dot_general3A_394 = tpu.matmul %broadcast_in_dim3A_347, %mul3A_392, %dot_general3A_393 {dimension_numbers = #tpu.dot_dimension_numbers<[1], [1], [0], [0], [0, 0, 1, 0], [], []>, transpose_lhs_hint = false} : vector<1x32xf32>, vector<1024x32xf32>, vector<1x1024xf32> -> vector<1x1024xf32>
      %swap3A_395 = arith.constant 2 : index
      %swap3A_396 = arith.constant 0 : index
      %swap3A_397 = arith.constant 0 : index
      %swap3A_398 = vector.load %arg9[%swap3A_395, %swap3A_396, %swap3A_397] : memref<4x1x1024xf32, #tpu.memory_space<vmem>>, vector<1x1x1024xf32>
      %swap3A_399 = vector.shape_cast %swap3A_398 : vector<1x1x1024xf32> to vector<1x1024xf32>
      %swap3A_400 = vector.shape_cast %dot_general3A_394 : vector<1x1024xf32> to vector<1x1x1024xf32>
      tpu.vector_store %arg9[%swap3A_395, %swap3A_396, %swap3A_397], %swap3A_400 {strides = array<i32>} : memref<4x1x1024xf32, #tpu.memory_space<vmem>>, vector<1x1x1024xf32>,
      %get3A_401 = arith.constant 3 : index
      %get3A_402 = arith.constant 0 : index
      %get3A_403 = arith.constant 0 : index
      %get3A_404 = vector.load %arg3[%get3A_401, %get3A_402, %get3A_403] : memref<4x1024x32xf32, #tpu.memory_space<vmem>>, vector<1x1024x32xf32>
      %get3A_405 = vector.shape_cast %get3A_404 : vector<1x1024x32xf32> to vector<1024x32xf32>
      %mul3A_406 = arith.mulf %get3A_405, %get3A_405 : vector<1024x32xf32>
      %dot_general3A_407 = arith.constant dense<0.000000e+00> : vector<1x1024xf32>
      %dot_general3A_408 = tpu.matmul %broadcast_in_dim3A_347, %mul3A_406, %dot_general3A_407 {dimension_numbers = #tpu.dot_dimension_numbers<[1], [1], [0], [0], [0, 0, 1, 0], [], []>, transpose_lhs_hint = false} : vector<1x32xf32>, vector<1024x32xf32>, vector<1x1024xf32> -> vector<1x1024xf32>
      %swap3A_409 = arith.constant 3 : index
      %swap3A_410 = arith.constant 0 : index
      %swap3A_411 = arith.constant 0 : index
      %swap3A_412 = vector.load %arg9[%swap3A_409, %swap3A_410, %swap3A_411] : memref<4x1x1024xf32, #tpu.memory_space<vmem>>, vector<1x1x1024xf32>
      %swap3A_413 = vector.shape_cast %swap3A_412 : vector<1x1x1024xf32> to vector<1x1024xf32>
      %swap3A_414 = vector.shape_cast %dot_general3A_408 : vector<1x1024xf32> to vector<1x1x1024xf32>
      tpu.vector_store %arg9[%swap3A_409, %swap3A_410, %swap3A_411], %swap3A_414 {strides = array<i32>} : memref<4x1x1024xf32, #tpu.memory_space<vmem>>, vector<1x1x1024xf32>,
      %broadcast_in_dim3A_415 = arith.constant 0.000000e+00 : f32
      %broadcast_in_dim3A_416 = vector.broadcast %broadcast_in_dim3A_415 : f32 to vector<4x1024xf32>
      %swap3A_417 = arith.constant 0 : index
      %swap3A_418 = arith.constant 0 : index
      %swap3A_419 = vector.load %arg10[%swap3A_417, %swap3A_418] : memref<4x1024xf32, #tpu.memory_space<vmem>>, vector<4x1024xf32>
      tpu.vector_store %arg10[%swap3A_417, %swap3A_418], %broadcast_in_dim3A_416 {strides = array<i32>} : memref<4x1024xf32, #tpu.memory_space<vmem>>, vector<4x1024xf32>,
      %broadcast_in_dim3A_420 = arith.constant 0.000000e+00 : f32
      %broadcast_in_dim3A_421 = vector.broadcast %broadcast_in_dim3A_420 : f32 to vector<1x8xf32>
      %swap3A_422 = arith.constant 0 : index
      %swap3A_423 = arith.constant 0 : index
      %swap3A_424 = vector.load %arg11[%swap3A_422, %swap3A_423] : memref<1x8xf32, #tpu.memory_space<vmem>>, vector<1x8xf32>
      tpu.vector_store %arg11[%swap3A_422, %swap3A_423], %broadcast_in_dim3A_421 {strides = array<i32>} : memref<1x8xf32, #tpu.memory_space<vmem>>, vector<1x8xf32>,
    } else {
    }
    %get3A = arith.constant 0 : index
    %get3A_2 = arith.constant 0 : index
    %get3A_3 = arith.constant 0 : index
    %get3A_4 = vector.load %arg2[%get3A, %get3A_2, %get3A_3] : memref<1x512x1xf32, #tpu.memory_space<vmem>>, vector<1x512x1xf32>
    %get3A_5 = vector.shape_cast %get3A_4 : vector<1x512x1xf32> to vector<512x1xf32>
    %iota3A = tpu.iota {dimensions = array<i32: 1>} : vector<512x1024xi32>
    %broadcast_in_dim3A = arith.constant 1.000000e+00 : f32
    %broadcast_in_dim3A_6 = vector.broadcast %broadcast_in_dim3A : f32 to vector<32x1xf32>
    %get3A_7 = arith.constant 0 : index
    %get3A_8 = arith.constant 0 : index
    %get3A_9 = vector.load %arg1[%get3A_7, %get3A_8] : memref<512x128xf32, #tpu.memory_space<vmem>>, vector<512x32xf32>
    %get3A_10 = arith.constant 0 : index
    %get3A_11 = arith.constant 0 : index
    %get3A_12 = arith.constant 0 : index
    %get3A_13 = vector.load %arg3[%get3A_10, %get3A_11, %get3A_12] : memref<4x1024x32xf32, #tpu.memory_space<vmem>>, vector<1x1024x32xf32>
    %get3A_14 = vector.shape_cast %get3A_13 : vector<1x1024x32xf32> to vector<1024x32xf32>
    %mul3A = arith.mulf %get3A_9, %get3A_9 : vector<512x32xf32>
    %dot_general3A = arith.constant dense<0.000000e+00> : vector<512x1xf32>
    %dot_general3A_15 = tpu.matmul %mul3A, %broadcast_in_dim3A_6, %dot_general3A {dimension_numbers = #tpu.dot_dimension_numbers<[1], [0], [0], [1], [0, 0, 1, 1], [], []>, transpose_lhs_hint = false} : vector<512x32xf32>, vector<32x1xf32>, vector<512x1xf32> -> vector<512x1xf32>
    %get3A_16 = arith.constant 0 : index
    %get3A_17 = arith.constant 0 : index
    %get3A_18 = arith.constant 0 : index
    %get3A_19 = vector.load %arg9[%get3A_16, %get3A_17, %get3A_18] : memref<4x1x1024xf32, #tpu.memory_space<vmem>>, vector<1x1x1024xf32>
    %get3A_20 = vector.shape_cast %get3A_19 : vector<1x1x1024xf32> to vector<1x1024xf32>
    %add3A = vector.broadcast %dot_general3A_15 : vector<512x1xf32> to vector<512x1024xf32>
    %add3A_21 = vector.broadcast %get3A_20 : vector<1x1024xf32> to vector<512x1024xf32>
    %add3A_22 = arith.addf %add3A, %add3A_21 : vector<512x1024xf32>
    %get3A_23 = arith.constant 0 : index
    %get3A_24 = arith.constant 0 : index
    %get3A_25 = arith.constant 0 : index
    %get3A_26 = vector.load %arg8[%get3A_23, %get3A_24, %get3A_25] : memref<4x1024x32xf32, #tpu.memory_space<vmem>>, vector<1x1024x32xf32>
    %get3A_27 = vector.shape_cast %get3A_26 : vector<1x1024x32xf32> to vector<1024x32xf32>
    %dot_general3A_28 = arith.constant dense<0.000000e+00> : vector<512x1024xf32>
    %dot_general3A_29 = tpu.matmul %get3A_9, %get3A_27, %dot_general3A_28 {dimension_numbers = #tpu.dot_dimension_numbers<[1], [1], [0], [0], [0, 0, 1, 0], [], []>, transpose_lhs_hint = false} : vector<512x32xf32>, vector<1024x32xf32>, vector<512x1024xf32> -> vector<512x1024xf32>
    %sub3A = arith.subf %add3A_22, %dot_general3A_29 : vector<512x1024xf32>
    %reduce_min3A = arith.constant dense<0x7F800000> : vector<512xf32>
    %reduce_min3A_30 = vector.multi_reduction <minimumf>, %sub3A, %reduce_min3A [1] : vector<512x1024xf32> to vector<512xf32>
    %broadcast_in_dim3A_31 = vector.shape_cast %reduce_min3A_30 : vector<512xf32> to vector<512x1xf32>
    %eq3A_32 = vector.broadcast %broadcast_in_dim3A_31 : vector<512x1xf32> to vector<512x1024xf32>
    %eq3A_33 = arith.cmpf oeq, %sub3A, %eq3A_32 : vector<512x1024xf32>
    %jit3A = arith.constant 1024 : i32
    %broadcast_in_dim3A_34 = vector.broadcast %jit3A : i32 to vector<512x1024xi32>
    %select_n3A = arith.select %eq3A_33, %iota3A, %broadcast_in_dim3A_34 : vector<512x1024xi1>, vector<512x1024xi32>
    %reduce_min3A_35 = arith.constant dense<2147483647> : vector<512xi32>
    %reduce_min3A_36 = vector.multi_reduction <minsi>, %select_n3A, %reduce_min3A_35 [1] : vector<512x1024xi32> to vector<512xi32>
    %broadcast_in_dim3A_37 = vector.shape_cast %reduce_min3A_36 : vector<512xi32> to vector<512x1xi32>
    %add3A_38 = arith.constant 0 : i32
    %add3A_39 = vector.broadcast %add3A_38 : i32 to vector<512x1xi32>
    %add3A_40 = arith.addi %broadcast_in_dim3A_37, %add3A_39 : vector<512x1xi32>
    %sub3A_41 = vector.broadcast %broadcast_in_dim3A_31 : vector<512x1xf32> to vector<512x1024xf32>
    %sub3A_42 = arith.subf %sub3A_41, %sub3A : vector<512x1024xf32>
    %exp3A = math.exp %sub3A_42 : vector<512x1024xf32>
    %reduce_sum3A = arith.constant dense<0.000000e+00> : vector<512xf32>
    %reduce_sum3A_43 = vector.multi_reduction <add>, %exp3A, %reduce_sum3A [1] : vector<512x1024xf32> to vector<512xf32>
    %broadcast_in_dim3A_44 = vector.shape_cast %reduce_sum3A_43 : vector<512xf32> to vector<512x1xf32>
    %div3A = vector.broadcast %broadcast_in_dim3A_44 : vector<512x1xf32> to vector<512x1024xf32>
    %div3A_45 = arith.divf %exp3A, %div3A : vector<512x1024xf32>
    %swap3A = arith.constant 0 : index
    %swap3A_46 = arith.constant 0 : index
    %swap3A_47 = arith.constant 0 : index
    %swap3A_48 = vector.load %arg4[%swap3A, %swap3A_46, %swap3A_47] : memref<512x4x1024xf32, #tpu.memory_space<vmem>>, vector<512x1x1024xf32>
    %swap3A_49 = vector.shape_cast %swap3A_48 : vector<512x1x1024xf32> to vector<512x1024xf32>
    %swap3A_50 = vector.shape_cast %div3A_45 : vector<512x1024xf32> to vector<512x1x1024xf32>
    tpu.vector_store %arg4[%swap3A, %swap3A_46, %swap3A_47], %swap3A_50 {strides = array<i32>} : memref<512x4x1024xf32, #tpu.memory_space<vmem>>, vector<512x1x1024xf32>,
    %dot_general3A_51 = arith.constant dense<0.000000e+00> : vector<512x32xf32>
    %dot_general3A_52 = tpu.matmul %div3A_45, %get3A_14, %dot_general3A_51 {dimension_numbers = #tpu.dot_dimension_numbers<[1], [0], [0], [1], [0, 0, 1, 1], [], []>, transpose_lhs_hint = false} : vector<512x1024xf32>, vector<1024x32xf32>, vector<512x32xf32> -> vector<512x32xf32>
    %sub3A_53 = arith.subf %get3A_9, %dot_general3A_52 : vector<512x32xf32>
    %get3A_54 = arith.constant 0 : index
    %get3A_55 = arith.constant 0 : index
    %get3A_56 = vector.load %arg11[%get3A_54, %get3A_55] : memref<1x8xf32, #tpu.memory_space<vmem>>, vector<1x1xf32>
    %mul3A_57 = arith.mulf %sub3A_53, %sub3A_53 : vector<512x32xf32>
    %reduce_sum3A_58 = arith.constant dense<0.000000e+00> : vector<512xf32>
    %reduce_sum3A_59 = vector.multi_reduction <add>, %mul3A_57, %reduce_sum3A_58 [1] : vector<512x32xf32> to vector<512xf32>
    %broadcast_in_dim3A_60 = vector.shape_cast %reduce_sum3A_59 : vector<512xf32> to vector<512x1xf32>
    %reduce_sum3A_61 = arith.constant dense<0.000000e+00> : vector<1xf32>
    %reduce_sum3A_62 = vector.multi_reduction <add>, %broadcast_in_dim3A_60, %reduce_sum3A_61 [0] : vector<512x1xf32> to vector<1xf32>
    %broadcast_in_dim3A_63 = vector.shape_cast %reduce_sum3A_62 : vector<1xf32> to vector<1x1xf32>
    %add3A_64 = arith.addf %get3A_56, %broadcast_in_dim3A_63 : vector<1x1xf32>
    %swap3A_65 = arith.constant 0 : index
    %swap3A_66 = arith.constant 0 : index
    %swap3A_67 = vector.load %arg11[%swap3A_65, %swap3A_66] : memref<1x8xf32, #tpu.memory_space<vmem>>, vector<1x1xf32>
    tpu.vector_store %arg11[%swap3A_65, %swap3A_66], %add3A_64 {strides = array<i32>} : memref<1x8xf32, #tpu.memory_space<vmem>>, vector<1x1xf32>,
    %get3A_68 = arith.constant 0 : index
    %get3A_69 = arith.constant 0 : index
    %get3A_70 = vector.load %arg10[%get3A_68, %get3A_69] : memref<4x1024xf32, #tpu.memory_space<vmem>>, vector<1x1024xf32>
    %reduce_sum3A_71 = arith.constant dense<0.000000e+00> : vector<1024xf32>
    %reduce_sum3A_72 = vector.multi_reduction <add>, %div3A_45, %reduce_sum3A_71 [0] : vector<512x1024xf32> to vector<1024xf32>
    %broadcast_in_dim3A_73 = vector.shape_cast %reduce_sum3A_72 : vector<1024xf32> to vector<1x1024xf32>
    %add3A_74 = arith.addf %get3A_70, %broadcast_in_dim3A_73 : vector<1x1024xf32>
    %swap3A_75 = arith.constant 0 : index
    %swap3A_76 = arith.constant 0 : index
    %swap3A_77 = vector.load %arg10[%swap3A_75, %swap3A_76] : memref<4x1024xf32, #tpu.memory_space<vmem>>, vector<1x1024xf32>
    tpu.vector_store %arg10[%swap3A_75, %swap3A_76], %add3A_74 {strides = array<i32>} : memref<4x1024xf32, #tpu.memory_space<vmem>>, vector<1x1024xf32>,
    %get3A_78 = arith.constant 0 : index
    %get3A_79 = arith.constant 32 : index
    %get3A_80 = vector.load %arg1[%get3A_78, %get3A_79] : memref<512x128xf32, #tpu.memory_space<vmem>>, vector<512x32xf32>
    %get3A_81 = arith.constant 1 : index
    %get3A_82 = arith.constant 0 : index
    %get3A_83 = arith.constant 0 : index
    %get3A_84 = vector.load %arg3[%get3A_81, %get3A_82, %get3A_83] : memref<4x1024x32xf32, #tpu.memory_space<vmem>>, vector<1x1024x32xf32>
    %get3A_85 = vector.shape_cast %get3A_84 : vector<1x1024x32xf32> to vector<1024x32xf32>
    %mul3A_86 = arith.mulf %get3A_80, %get3A_80 : vector<512x32xf32>
    %dot_general3A_87 = arith.constant dense<0.000000e+00> : vector<512x1xf32>
    %dot_general3A_88 = tpu.matmul %mul3A_86, %broadcast_in_dim3A_6, %dot_general3A_87 {dimension_numbers = #tpu.dot_dimension_numbers<[1], [0], [0], [1], [0, 0, 1, 1], [], []>, transpose_lhs_hint = false} : vector<512x32xf32>, vector<32x1xf32>, vector<512x1xf32> -> vector<512x1xf32>
    %get3A_89 = arith.constant 1 : index
    %get3A_90 = arith.constant 0 : index
    %get3A_91 = arith.constant 0 : index
    %get3A_92 = vector.load %arg9[%get3A_89, %get3A_90, %get3A_91] : memref<4x1x1024xf32, #tpu.memory_space<vmem>>, vector<1x1x1024xf32>
    %get3A_93 = vector.shape_cast %get3A_92 : vector<1x1x1024xf32> to vector<1x1024xf32>
    %add3A_94 = vector.broadcast %dot_general3A_88 : vector<512x1xf32> to vector<512x1024xf32>
    %add3A_95 = vector.broadcast %get3A_93 : vector<1x1024xf32> to vector<512x1024xf32>
    %add3A_96 = arith.addf %add3A_94, %add3A_95 : vector<512x1024xf32>
    %get3A_97 = arith.constant 1 : index
    %get3A_98 = arith.constant 0 : index
    %get3A_99 = arith.constant 0 : index
    %get3A_100 = vector.load %arg8[%get3A_97, %get3A_98, %get3A_99] : memref<4x1024x32xf32, #tpu.memory_space<vmem>>, vector<1x1024x32xf32>
    %get3A_101 = vector.shape_cast %get3A_100 : vector<1x1024x32xf32> to vector<1024x32xf32>
    %dot_general3A_102 = arith.constant dense<0.000000e+00> : vector<512x1024xf32>
    %dot_general3A_103 = tpu.matmul %get3A_80, %get3A_101, %dot_general3A_102 {dimension_numbers = #tpu.dot_dimension_numbers<[1], [1], [0], [0], [0, 0, 1, 0], [], []>, transpose_lhs_hint = false} : vector<512x32xf32>, vector<1024x32xf32>, vector<512x1024xf32> -> vector<512x1024xf32>
    %sub3A_104 = arith.subf %add3A_96, %dot_general3A_103 : vector<512x1024xf32>
    %reduce_min3A_105 = arith.constant dense<0x7F800000> : vector<512xf32>
    %reduce_min3A_106 = vector.multi_reduction <minimumf>, %sub3A_104, %reduce_min3A_105 [1] : vector<512x1024xf32> to vector<512xf32>
    %broadcast_in_dim3A_107 = vector.shape_cast %reduce_min3A_106 : vector<512xf32> to vector<512x1xf32>
    %eq3A_108 = vector.broadcast %broadcast_in_dim3A_107 : vector<512x1xf32> to vector<512x1024xf32>
    %eq3A_109 = arith.cmpf oeq, %sub3A_104, %eq3A_108 : vector<512x1024xf32>
    %jit3A_110 = arith.constant 1024 : i32
    %broadcast_in_dim3A_111 = vector.broadcast %jit3A_110 : i32 to vector<512x1024xi32>
    %select_n3A_112 = arith.select %eq3A_109, %iota3A, %broadcast_in_dim3A_111 : vector<512x1024xi1>, vector<512x1024xi32>
    %reduce_min3A_113 = arith.constant dense<2147483647> : vector<512xi32>
    %reduce_min3A_114 = vector.multi_reduction <minsi>, %select_n3A_112, %reduce_min3A_113 [1] : vector<512x1024xi32> to vector<512xi32>
    %broadcast_in_dim3A_115 = vector.shape_cast %reduce_min3A_114 : vector<512xi32> to vector<512x1xi32>
    %add3A_116 = arith.constant 1024 : i32
    %add3A_117 = vector.broadcast %add3A_116 : i32 to vector<512x1xi32>
    %add3A_118 = arith.addi %broadcast_in_dim3A_115, %add3A_117 : vector<512x1xi32>
    %sub3A_119 = vector.broadcast %broadcast_in_dim3A_107 : vector<512x1xf32> to vector<512x1024xf32>
    %sub3A_120 = arith.subf %sub3A_119, %sub3A_104 : vector<512x1024xf32>
    %exp3A_121 = math.exp %sub3A_120 : vector<512x1024xf32>
    %reduce_sum3A_122 = arith.constant dense<0.000000e+00> : vector<512xf32>
    %reduce_sum3A_123 = vector.multi_reduction <add>, %exp3A_121, %reduce_sum3A_122 [1] : vector<512x1024xf32> to vector<512xf32>
    %broadcast_in_dim3A_124 = vector.shape_cast %reduce_sum3A_123 : vector<512xf32> to vector<512x1xf32>
    %div3A_125 = vector.broadcast %broadcast_in_dim3A_124 : vector<512x1xf32> to vector<512x1024xf32>
    %div3A_126 = arith.divf %exp3A_121, %div3A_125 : vector<512x1024xf32>
    %swap3A_127 = arith.constant 0 : index
    %swap3A_128 = arith.constant 1 : index
    %swap3A_129 = arith.constant 0 : index
    %swap3A_130 = vector.load %arg4[%swap3A_127, %swap3A_128, %swap3A_129] : memref<512x4x1024xf32, #tpu.memory_space<vmem>>, vector<512x1x1024xf32>
    %swap3A_131 = vector.shape_cast %swap3A_130 : vector<512x1x1024xf32> to vector<512x1024xf32>
    %swap3A_132 = vector.shape_cast %div3A_126 : vector<512x1024xf32> to vector<512x1x1024xf32>
    tpu.vector_store %arg4[%swap3A_127, %swap3A_128, %swap3A_129], %swap3A_132 {strides = array<i32>} : memref<512x4x1024xf32, #tpu.memory_space<vmem>>, vector<512x1x1024xf32>,
    %dot_general3A_133 = arith.constant dense<0.000000e+00> : vector<512x32xf32>
    %dot_general3A_134 = tpu.matmul %div3A_126, %get3A_85, %dot_general3A_133 {dimension_numbers = #tpu.dot_dimension_numbers<[1], [0], [0], [1], [0, 0, 1, 1], [], []>, transpose_lhs_hint = false} : vector<512x1024xf32>, vector<1024x32xf32>, vector<512x32xf32> -> vector<512x32xf32>
    %sub3A_135 = arith.subf %get3A_80, %dot_general3A_134 : vector<512x32xf32>
    %get3A_136 = arith.constant 0 : index
    %get3A_137 = arith.constant 1 : index
    %get3A_138 = vector.load %arg11[%get3A_136, %get3A_137] : memref<1x8xf32, #tpu.memory_space<vmem>>, vector<1x1xf32>
    %mul3A_139 = arith.mulf %sub3A_135, %sub3A_135 : vector<512x32xf32>
    %reduce_sum3A_140 = arith.constant dense<0.000000e+00> : vector<512xf32>
    %reduce_sum3A_141 = vector.multi_reduction <add>, %mul3A_139, %reduce_sum3A_140 [1] : vector<512x32xf32> to vector<512xf32>
    %broadcast_in_dim3A_142 = vector.shape_cast %reduce_sum3A_141 : vector<512xf32> to vector<512x1xf32>
    %reduce_sum3A_143 = arith.constant dense<0.000000e+00> : vector<1xf32>
    %reduce_sum3A_144 = vector.multi_reduction <add>, %broadcast_in_dim3A_142, %reduce_sum3A_143 [0] : vector<512x1xf32> to vector<1xf32>
    %broadcast_in_dim3A_145 = vector.shape_cast %reduce_sum3A_144 : vector<1xf32> to vector<1x1xf32>
    %add3A_146 = arith.addf %get3A_138, %broadcast_in_dim3A_145 : vector<1x1xf32>
    %swap3A_147 = arith.constant 0 : index
    %swap3A_148 = arith.constant 1 : index
    %swap3A_149 = vector.load %arg11[%swap3A_147, %swap3A_148] : memref<1x8xf32, #tpu.memory_space<vmem>>, vector<1x1xf32>
    tpu.vector_store %arg11[%swap3A_147, %swap3A_148], %add3A_146 {strides = array<i32>} : memref<1x8xf32, #tpu.memory_space<vmem>>, vector<1x1xf32>,
    %get3A_150 = arith.constant 1 : index
    %get3A_151 = arith.constant 0 : index
    %get3A_152 = vector.load %arg10[%get3A_150, %get3A_151] : memref<4x1024xf32, #tpu.memory_space<vmem>>, vector<1x1024xf32>
    %reduce_sum3A_153 = arith.constant dense<0.000000e+00> : vector<1024xf32>
    %reduce_sum3A_154 = vector.multi_reduction <add>, %div3A_126, %reduce_sum3A_153 [0] : vector<512x1024xf32> to vector<1024xf32>
    %broadcast_in_dim3A_155 = vector.shape_cast %reduce_sum3A_154 : vector<1024xf32> to vector<1x1024xf32>
    %add3A_156 = arith.addf %get3A_152, %broadcast_in_dim3A_155 : vector<1x1024xf32>
    %swap3A_157 = arith.constant 1 : index
    %swap3A_158 = arith.constant 0 : index
    %swap3A_159 = vector.load %arg10[%swap3A_157, %swap3A_158] : memref<4x1024xf32, #tpu.memory_space<vmem>>, vector<1x1024xf32>
    tpu.vector_store %arg10[%swap3A_157, %swap3A_158], %add3A_156 {strides = array<i32>} : memref<4x1024xf32, #tpu.memory_space<vmem>>, vector<1x1024xf32>,
    %get3A_160 = arith.constant 0 : index
    %get3A_161 = arith.constant 64 : index
    %get3A_162 = vector.load %arg1[%get3A_160, %get3A_161] : memref<512x128xf32, #tpu.memory_space<vmem>>, vector<512x32xf32>
    %get3A_163 = arith.constant 2 : index
    %get3A_164 = arith.constant 0 : index
    %get3A_165 = arith.constant 0 : index
    %get3A_166 = vector.load %arg3[%get3A_163, %get3A_164, %get3A_165] : memref<4x1024x32xf32, #tpu.memory_space<vmem>>, vector<1x1024x32xf32>
    %get3A_167 = vector.shape_cast %get3A_166 : vector<1x1024x32xf32> to vector<1024x32xf32>
    %mul3A_168 = arith.mulf %get3A_162, %get3A_162 : vector<512x32xf32>
    %dot_general3A_169 = arith.constant dense<0.000000e+00> : vector<512x1xf32>
    %dot_general3A_170 = tpu.matmul %mul3A_168, %broadcast_in_dim3A_6, %dot_general3A_169 {dimension_numbers = #tpu.dot_dimension_numbers<[1], [0], [0], [1], [0, 0, 1, 1], [], []>, transpose_lhs_hint = false} : vector<512x32xf32>, vector<32x1xf32>, vector<512x1xf32> -> vector<512x1xf32>
    %get3A_171 = arith.constant 2 : index
    %get3A_172 = arith.constant 0 : index
    %get3A_173 = arith.constant 0 : index
    %get3A_174 = vector.load %arg9[%get3A_171, %get3A_172, %get3A_173] : memref<4x1x1024xf32, #tpu.memory_space<vmem>>, vector<1x1x1024xf32>
    %get3A_175 = vector.shape_cast %get3A_174 : vector<1x1x1024xf32> to vector<1x1024xf32>
    %add3A_176 = vector.broadcast %dot_general3A_170 : vector<512x1xf32> to vector<512x1024xf32>
    %add3A_177 = vector.broadcast %get3A_175 : vector<1x1024xf32> to vector<512x1024xf32>
    %add3A_178 = arith.addf %add3A_176, %add3A_177 : vector<512x1024xf32>
    %get3A_179 = arith.constant 2 : index
    %get3A_180 = arith.constant 0 : index
    %get3A_181 = arith.constant 0 : index
    %get3A_182 = vector.load %arg8[%get3A_179, %get3A_180, %get3A_181] : memref<4x1024x32xf32, #tpu.memory_space<vmem>>, vector<1x1024x32xf32>
    %get3A_183 = vector.shape_cast %get3A_182 : vector<1x1024x32xf32> to vector<1024x32xf32>
    %dot_general3A_184 = arith.constant dense<0.000000e+00> : vector<512x1024xf32>
    %dot_general3A_185 = tpu.matmul %get3A_162, %get3A_183, %dot_general3A_184 {dimension_numbers = #tpu.dot_dimension_numbers<[1], [1], [0], [0], [0, 0, 1, 0], [], []>, transpose_lhs_hint = false} : vector<512x32xf32>, vector<1024x32xf32>, vector<512x1024xf32> -> vector<512x1024xf32>
    %sub3A_186 = arith.subf %add3A_178, %dot_general3A_185 : vector<512x1024xf32>
    %reduce_min3A_187 = arith.constant dense<0x7F800000> : vector<512xf32>
    %reduce_min3A_188 = vector.multi_reduction <minimumf>, %sub3A_186, %reduce_min3A_187 [1] : vector<512x1024xf32> to vector<512xf32>
    %broadcast_in_dim3A_189 = vector.shape_cast %reduce_min3A_188 : vector<512xf32> to vector<512x1xf32>
    %eq3A_190 = vector.broadcast %broadcast_in_dim3A_189 : vector<512x1xf32> to vector<512x1024xf32>
    %eq3A_191 = arith.cmpf oeq, %sub3A_186, %eq3A_190 : vector<512x1024xf32>
    %jit3A_192 = arith.constant 1024 : i32
    %broadcast_in_dim3A_193 = vector.broadcast %jit3A_192 : i32 to vector<512x1024xi32>
    %select_n3A_194 = arith.select %eq3A_191, %iota3A, %broadcast_in_dim3A_193 : vector<512x1024xi1>, vector<512x1024xi32>
    %reduce_min3A_195 = arith.constant dense<2147483647> : vector<512xi32>
    %reduce_min3A_196 = vector.multi_reduction <minsi>, %select_n3A_194, %reduce_min3A_195 [1] : vector<512x1024xi32> to vector<512xi32>
    %broadcast_in_dim3A_197 = vector.shape_cast %reduce_min3A_196 : vector<512xi32> to vector<512x1xi32>
    %add3A_198 = arith.constant 2048 : i32
    %add3A_199 = vector.broadcast %add3A_198 : i32 to vector<512x1xi32>
    %add3A_200 = arith.addi %broadcast_in_dim3A_197, %add3A_199 : vector<512x1xi32>
    %sub3A_201 = vector.broadcast %broadcast_in_dim3A_189 : vector<512x1xf32> to vector<512x1024xf32>
    %sub3A_202 = arith.subf %sub3A_201, %sub3A_186 : vector<512x1024xf32>
    %exp3A_203 = math.exp %sub3A_202 : vector<512x1024xf32>
    %reduce_sum3A_204 = arith.constant dense<0.000000e+00> : vector<512xf32>
    %reduce_sum3A_205 = vector.multi_reduction <add>, %exp3A_203, %reduce_sum3A_204 [1] : vector<512x1024xf32> to vector<512xf32>
    %broadcast_in_dim3A_206 = vector.shape_cast %reduce_sum3A_205 : vector<512xf32> to vector<512x1xf32>
    %div3A_207 = vector.broadcast %broadcast_in_dim3A_206 : vector<512x1xf32> to vector<512x1024xf32>
    %div3A_208 = arith.divf %exp3A_203, %div3A_207 : vector<512x1024xf32>
    %swap3A_209 = arith.constant 0 : index
    %swap3A_210 = arith.constant 2 : index
    %swap3A_211 = arith.constant 0 : index
    %swap3A_212 = vector.load %arg4[%swap3A_209, %swap3A_210, %swap3A_211] : memref<512x4x1024xf32, #tpu.memory_space<vmem>>, vector<512x1x1024xf32>
    %swap3A_213 = vector.shape_cast %swap3A_212 : vector<512x1x1024xf32> to vector<512x1024xf32>
    %swap3A_214 = vector.shape_cast %div3A_208 : vector<512x1024xf32> to vector<512x1x1024xf32>
    tpu.vector_store %arg4[%swap3A_209, %swap3A_210, %swap3A_211], %swap3A_214 {strides = array<i32>} : memref<512x4x1024xf32, #tpu.memory_space<vmem>>, vector<512x1x1024xf32>,
    %dot_general3A_215 = arith.constant dense<0.000000e+00> : vector<512x32xf32>
    %dot_general3A_216 = tpu.matmul %div3A_208, %get3A_167, %dot_general3A_215 {dimension_numbers = #tpu.dot_dimension_numbers<[1], [0], [0], [1], [0, 0, 1, 1], [], []>, transpose_lhs_hint = false} : vector<512x1024xf32>, vector<1024x32xf32>, vector<512x32xf32> -> vector<512x32xf32>
    %sub3A_217 = arith.subf %get3A_162, %dot_general3A_216 : vector<512x32xf32>
    %get3A_218 = arith.constant 0 : index
    %get3A_219 = arith.constant 2 : index
    %get3A_220 = vector.load %arg11[%get3A_218, %get3A_219] : memref<1x8xf32, #tpu.memory_space<vmem>>, vector<1x1xf32>
    %mul3A_221 = arith.mulf %sub3A_217, %sub3A_217 : vector<512x32xf32>
    %reduce_sum3A_222 = arith.constant dense<0.000000e+00> : vector<512xf32>
    %reduce_sum3A_223 = vector.multi_reduction <add>, %mul3A_221, %reduce_sum3A_222 [1] : vector<512x32xf32> to vector<512xf32>
    %broadcast_in_dim3A_224 = vector.shape_cast %reduce_sum3A_223 : vector<512xf32> to vector<512x1xf32>
    %reduce_sum3A_225 = arith.constant dense<0.000000e+00> : vector<1xf32>
    %reduce_sum3A_226 = vector.multi_reduction <add>, %broadcast_in_dim3A_224, %reduce_sum3A_225 [0] : vector<512x1xf32> to vector<1xf32>
    %broadcast_in_dim3A_227 = vector.shape_cast %reduce_sum3A_226 : vector<1xf32> to vector<1x1xf32>
    %add3A_228 = arith.addf %get3A_220, %broadcast_in_dim3A_227 : vector<1x1xf32>
    %swap3A_229 = arith.constant 0 : index
    %swap3A_230 = arith.constant 2 : index
    %swap3A_231 = vector.load %arg11[%swap3A_229, %swap3A_230] : memref<1x8xf32, #tpu.memory_space<vmem>>, vector<1x1xf32>
    tpu.vector_store %arg11[%swap3A_229, %swap3A_230], %add3A_228 {strides = array<i32>} : memref<1x8xf32, #tpu.memory_space<vmem>>, vector<1x1xf32>,
    %get3A_232 = arith.constant 2 : index
    %get3A_233 = arith.constant 0 : index
    %get3A_234 = vector.load %arg10[%get3A_232, %get3A_233] : memref<4x1024xf32, #tpu.memory_space<vmem>>, vector<1x1024xf32>
    %reduce_sum3A_235 = arith.constant dense<0.000000e+00> : vector<1024xf32>
    %reduce_sum3A_236 = vector.multi_reduction <add>, %div3A_208, %reduce_sum3A_235 [0] : vector<512x1024xf32> to vector<1024xf32>
    %broadcast_in_dim3A_237 = vector.shape_cast %reduce_sum3A_236 : vector<1024xf32> to vector<1x1024xf32>
    %add3A_238 = arith.addf %get3A_234, %broadcast_in_dim3A_237 : vector<1x1024xf32>
    %swap3A_239 = arith.constant 2 : index
    %swap3A_240 = arith.constant 0 : index
    %swap3A_241 = vector.load %arg10[%swap3A_239, %swap3A_240] : memref<4x1024xf32, #tpu.memory_space<vmem>>, vector<1x1024xf32>
    tpu.vector_store %arg10[%swap3A_239, %swap3A_240], %add3A_238 {strides = array<i32>} : memref<4x1024xf32, #tpu.memory_space<vmem>>, vector<1x1024xf32>,
    %get3A_242 = arith.constant 0 : index
    %get3A_243 = arith.constant 96 : index
    %get3A_244 = vector.load %arg1[%get3A_242, %get3A_243] : memref<512x128xf32, #tpu.memory_space<vmem>>, vector<512x32xf32>
    %get3A_245 = arith.constant 3 : index
    %get3A_246 = arith.constant 0 : index
    %get3A_247 = arith.constant 0 : index
    %get3A_248 = vector.load %arg3[%get3A_245, %get3A_246, %get3A_247] : memref<4x1024x32xf32, #tpu.memory_space<vmem>>, vector<1x1024x32xf32>
    %get3A_249 = vector.shape_cast %get3A_248 : vector<1x1024x32xf32> to vector<1024x32xf32>
    %mul3A_250 = arith.mulf %get3A_244, %get3A_244 : vector<512x32xf32>
    %dot_general3A_251 = arith.constant dense<0.000000e+00> : vector<512x1xf32>
    %dot_general3A_252 = tpu.matmul %mul3A_250, %broadcast_in_dim3A_6, %dot_general3A_251 {dimension_numbers = #tpu.dot_dimension_numbers<[1], [0], [0], [1], [0, 0, 1, 1], [], []>, transpose_lhs_hint = false} : vector<512x32xf32>, vector<32x1xf32>, vector<512x1xf32> -> vector<512x1xf32>
    %get3A_253 = arith.constant 3 : index
    %get3A_254 = arith.constant 0 : index
    %get3A_255 = arith.constant 0 : index
    %get3A_256 = vector.load %arg9[%get3A_253, %get3A_254, %get3A_255] : memref<4x1x1024xf32, #tpu.memory_space<vmem>>, vector<1x1x1024xf32>
    %get3A_257 = vector.shape_cast %get3A_256 : vector<1x1x1024xf32> to vector<1x1024xf32>
    %add3A_258 = vector.broadcast %dot_general3A_252 : vector<512x1xf32> to vector<512x1024xf32>
    %add3A_259 = vector.broadcast %get3A_257 : vector<1x1024xf32> to vector<512x1024xf32>
    %add3A_260 = arith.addf %add3A_258, %add3A_259 : vector<512x1024xf32>
    %get3A_261 = arith.constant 3 : index
    %get3A_262 = arith.constant 0 : index
    %get3A_263 = arith.constant 0 : index
    %get3A_264 = vector.load %arg8[%get3A_261, %get3A_262, %get3A_263] : memref<4x1024x32xf32, #tpu.memory_space<vmem>>, vector<1x1024x32xf32>
    %get3A_265 = vector.shape_cast %get3A_264 : vector<1x1024x32xf32> to vector<1024x32xf32>
    %dot_general3A_266 = arith.constant dense<0.000000e+00> : vector<512x1024xf32>
    %dot_general3A_267 = tpu.matmul %get3A_244, %get3A_265, %dot_general3A_266 {dimension_numbers = #tpu.dot_dimension_numbers<[1], [1], [0], [0], [0, 0, 1, 0], [], []>, transpose_lhs_hint = false} : vector<512x32xf32>, vector<1024x32xf32>, vector<512x1024xf32> -> vector<512x1024xf32>
    %sub3A_268 = arith.subf %add3A_260, %dot_general3A_267 : vector<512x1024xf32>
    %reduce_min3A_269 = arith.constant dense<0x7F800000> : vector<512xf32>
    %reduce_min3A_270 = vector.multi_reduction <minimumf>, %sub3A_268, %reduce_min3A_269 [1] : vector<512x1024xf32> to vector<512xf32>
    %broadcast_in_dim3A_271 = vector.shape_cast %reduce_min3A_270 : vector<512xf32> to vector<512x1xf32>
    %eq3A_272 = vector.broadcast %broadcast_in_dim3A_271 : vector<512x1xf32> to vector<512x1024xf32>
    %eq3A_273 = arith.cmpf oeq, %sub3A_268, %eq3A_272 : vector<512x1024xf32>
    %jit3A_274 = arith.constant 1024 : i32
    %broadcast_in_dim3A_275 = vector.broadcast %jit3A_274 : i32 to vector<512x1024xi32>
    %select_n3A_276 = arith.select %eq3A_273, %iota3A, %broadcast_in_dim3A_275 : vector<512x1024xi1>, vector<512x1024xi32>
    %reduce_min3A_277 = arith.constant dense<2147483647> : vector<512xi32>
    %reduce_min3A_278 = vector.multi_reduction <minsi>, %select_n3A_276, %reduce_min3A_277 [1] : vector<512x1024xi32> to vector<512xi32>
    %broadcast_in_dim3A_279 = vector.shape_cast %reduce_min3A_278 : vector<512xi32> to vector<512x1xi32>
    %add3A_280 = arith.constant 3072 : i32
    %add3A_281 = vector.broadcast %add3A_280 : i32 to vector<512x1xi32>
    %add3A_282 = arith.addi %broadcast_in_dim3A_279, %add3A_281 : vector<512x1xi32>
    %sub3A_283 = vector.broadcast %broadcast_in_dim3A_271 : vector<512x1xf32> to vector<512x1024xf32>
    %sub3A_284 = arith.subf %sub3A_283, %sub3A_268 : vector<512x1024xf32>
    %exp3A_285 = math.exp %sub3A_284 : vector<512x1024xf32>
    %reduce_sum3A_286 = arith.constant dense<0.000000e+00> : vector<512xf32>
    %reduce_sum3A_287 = vector.multi_reduction <add>, %exp3A_285, %reduce_sum3A_286 [1] : vector<512x1024xf32> to vector<512xf32>
    %broadcast_in_dim3A_288 = vector.shape_cast %reduce_sum3A_287 : vector<512xf32> to vector<512x1xf32>
    %div3A_289 = vector.broadcast %broadcast_in_dim3A_288 : vector<512x1xf32> to vector<512x1024xf32>
    %div3A_290 = arith.divf %exp3A_285, %div3A_289 : vector<512x1024xf32>
    %swap3A_291 = arith.constant 0 : index
    %swap3A_292 = arith.constant 3 : index
    %swap3A_293 = arith.constant 0 : index
    %swap3A_294 = vector.load %arg4[%swap3A_291, %swap3A_292, %swap3A_293] : memref<512x4x1024xf32, #tpu.memory_space<vmem>>, vector<512x1x1024xf32>
    %swap3A_295 = vector.shape_cast %swap3A_294 : vector<512x1x1024xf32> to vector<512x1024xf32>
    %swap3A_296 = vector.shape_cast %div3A_290 : vector<512x1024xf32> to vector<512x1x1024xf32>
    tpu.vector_store %arg4[%swap3A_291, %swap3A_292, %swap3A_293], %swap3A_296 {strides = array<i32>} : memref<512x4x1024xf32, #tpu.memory_space<vmem>>, vector<512x1x1024xf32>,
    %dot_general3A_297 = arith.constant dense<0.000000e+00> : vector<512x32xf32>
    %dot_general3A_298 = tpu.matmul %div3A_290, %get3A_249, %dot_general3A_297 {dimension_numbers = #tpu.dot_dimension_numbers<[1], [0], [0], [1], [0, 0, 1, 1], [], []>, transpose_lhs_hint = false} : vector<512x1024xf32>, vector<1024x32xf32>, vector<512x32xf32> -> vector<512x32xf32>
    %sub3A_299 = arith.subf %get3A_244, %dot_general3A_298 : vector<512x32xf32>
    %get3A_300 = arith.constant 0 : index
    %get3A_301 = arith.constant 3 : index
    %get3A_302 = vector.load %arg11[%get3A_300, %get3A_301] : memref<1x8xf32, #tpu.memory_space<vmem>>, vector<1x1xf32>
    %mul3A_303 = arith.mulf %sub3A_299, %sub3A_299 : vector<512x32xf32>
    %reduce_sum3A_304 = arith.constant dense<0.000000e+00> : vector<512xf32>
    %reduce_sum3A_305 = vector.multi_reduction <add>, %mul3A_303, %reduce_sum3A_304 [1] : vector<512x32xf32> to vector<512xf32>
    %broadcast_in_dim3A_306 = vector.shape_cast %reduce_sum3A_305 : vector<512xf32> to vector<512x1xf32>
    %reduce_sum3A_307 = arith.constant dense<0.000000e+00> : vector<1xf32>
    %reduce_sum3A_308 = vector.multi_reduction <add>, %broadcast_in_dim3A_306, %reduce_sum3A_307 [0] : vector<512x1xf32> to vector<1xf32>
    %broadcast_in_dim3A_309 = vector.shape_cast %reduce_sum3A_308 : vector<1xf32> to vector<1x1xf32>
    %add3A_310 = arith.addf %get3A_302, %broadcast_in_dim3A_309 : vector<1x1xf32>
    %swap3A_311 = arith.constant 0 : index
    %swap3A_312 = arith.constant 3 : index
    %swap3A_313 = vector.load %arg11[%swap3A_311, %swap3A_312] : memref<1x8xf32, #tpu.memory_space<vmem>>, vector<1x1xf32>
    tpu.vector_store %arg11[%swap3A_311, %swap3A_312], %add3A_310 {strides = array<i32>} : memref<1x8xf32, #tpu.memory_space<vmem>>, vector<1x1xf32>,
    %get3A_314 = arith.constant 3 : index
    %get3A_315 = arith.constant 0 : index
    %get3A_316 = vector.load %arg10[%get3A_314, %get3A_315] : memref<4x1024xf32, #tpu.memory_space<vmem>>, vector<1x1024xf32>
    %reduce_sum3A_317 = arith.constant dense<0.000000e+00> : vector<1024xf32>
    %reduce_sum3A_318 = vector.multi_reduction <add>, %div3A_290, %reduce_sum3A_317 [0] : vector<512x1024xf32> to vector<1024xf32>
    %broadcast_in_dim3A_319 = vector.shape_cast %reduce_sum3A_318 : vector<1024xf32> to vector<1x1024xf32>
    %add3A_320 = arith.addf %get3A_316, %broadcast_in_dim3A_319 : vector<1x1024xf32>
    %swap3A_321 = arith.constant 3 : index
    %swap3A_322 = arith.constant 0 : index
    %swap3A_323 = vector.load %arg10[%swap3A_321, %swap3A_322] : memref<4x1024xf32, #tpu.memory_space<vmem>>, vector<1x1024xf32>
    tpu.vector_store %arg10[%swap3A_321, %swap3A_322], %add3A_320 {strides = array<i32>} : memref<4x1024xf32, #tpu.memory_space<vmem>>, vector<1x1024xf32>,
    %concatenate3A = tpu.concatenate %broadcast_in_dim3A_37, %broadcast_in_dim3A_115, %broadcast_in_dim3A_197, %broadcast_in_dim3A_279 in 1 : vector<512x1xi32>, vector<512x1xi32>, vector<512x1xi32>, vector<512x1xi32> -> vector<512x4xi32>
    %swap3A_324 = arith.constant 0 : index
    %swap3A_325 = arith.constant 0 : index
    %swap3A_326 = vector.load %arg6[%swap3A_324, %swap3A_325] : memref<512x4xi32, #tpu.memory_space<vmem>>, vector<512x4xi32>
    tpu.vector_store %arg6[%swap3A_324, %swap3A_325], %concatenate3A {strides = array<i32>} : memref<512x4xi32, #tpu.memory_space<vmem>>, vector<512x4xi32>,
    %concatenate3A_327 = tpu.concatenate %add3A_40, %add3A_118, %add3A_200, %add3A_282 in 1 : vector<512x1xi32>, vector<512x1xi32>, vector<512x1xi32>, vector<512x1xi32> -> vector<512x4xi32>
    %swap3A_328 = arith.constant 0 : index
    %swap3A_329 = arith.constant 0 : index
    %swap3A_330 = vector.load %arg5[%swap3A_328, %swap3A_329] : memref<512x4xi32, #tpu.memory_space<vmem>>, vector<512x4xi32>
    tpu.vector_store %arg5[%swap3A_328, %swap3A_329], %concatenate3A_327 {strides = array<i32>} : memref<512x4xi32, #tpu.memory_space<vmem>>, vector<512x4xi32>,
    %get3A_331 = arith.constant 0 : index
    %get3A_332 = arith.constant 4 : index
    %get3A_333 = vector.load %arg11[%get3A_331, %get3A_332] : memref<1x8xf32, #tpu.memory_space<vmem>>, vector<1x1xf32>
    %reduce_sum3A_334 = arith.constant dense<0.000000e+00> : vector<1xf32>
    %reduce_sum3A_335 = vector.multi_reduction <add>, %get3A_5, %reduce_sum3A_334 [0] : vector<512x1xf32> to vector<1xf32>
    %broadcast_in_dim3A_336 = vector.shape_cast %reduce_sum3A_335 : vector<1xf32> to vector<1x1xf32>
    %add3A_337 = arith.addf %get3A_333, %broadcast_in_dim3A_336 : vector<1x1xf32>
    %swap3A_338 = arith.constant 0 : index
    %swap3A_339 = arith.constant 4 : index
    %swap3A_340 = vector.load %arg11[%swap3A_338, %swap3A_339] : memref<1x8xf32, #tpu.memory_space<vmem>>, vector<1x1xf32>
    tpu.vector_store %arg11[%swap3A_338, %swap3A_339], %add3A_337 {strides = array<i32>} : memref<1x8xf32, #tpu.memory_space<vmem>>, vector<1x1xf32>,
    %eq3A_341 = arith.constant 15 : i32
    %eq3A_342 = arith.cmpi eq, %arg0, %eq3A_341 : i32
    %convert_element_type3A_343 = arith.extui %eq3A_342 : i1 to i32
    %cond3A_344 = arith.constant 0 : i32
    %cond3A_345 = arith.cmpi ne, %convert_element_type3A_343, %cond3A_344 : i32
    scf.if %cond3A_345 {
      %broadcast_in_dim3A_346 = arith.constant 1.000000e+00 : f32
      %broadcast_in_dim3A_347 = vector.broadcast %broadcast_in_dim3A_346 : f32 to vector<1x128xf32>
      %get3A_348 = arith.constant 0 : index
      %get3A_349 = arith.constant 4 : index
      %get3A_350 = vector.load %arg11[%get3A_348, %get3A_349] : memref<1x8xf32, #tpu.memory_space<vmem>>, vector<1x1xf32>
      %max3A = arith.constant 1.000000e+00 : f32
      %max3A_351 = vector.broadcast %max3A : f32 to vector<1x1xf32>
      %max3A_352 = arith.maximumf %get3A_350, %max3A_351 : vector<1x1xf32>
      %get3A_353 = arith.constant 0 : index
      %get3A_354 = arith.constant 0 : index
      %get3A_355 = vector.load %arg10[%get3A_353, %get3A_354] : memref<4x1024xf32, #tpu.memory_space<vmem>>, vector<4x1024xf32>
      %div3A_356 = vector.broadcast %max3A_352 : vector<1x1xf32> to vector<4x1024xf32>
      %div3A_357 = arith.divf %get3A_355, %div3A_356 : vector<4x1024xf32>
      %log3A = arith.constant 1.024000e+03 : f32
      %log3A_358 = math.log %log3A : f32
      %max3A_359 = arith.constant 9.99999993E-9 : f32
      %max3A_360 = vector.broadcast %max3A_359 : f32 to vector<4x1024xf32>
      %max3A_361 = arith.maximumf %div3A_357, %max3A_360 : vector<4x1024xf32>
      %log3A_362 = math.log %max3A_361 : vector<4x1024xf32>
      %add3A_363 = vector.broadcast %log3A_358 : f32 to vector<4x1024xf32>
      %add3A_364 = arith.addf %log3A_362, %add3A_363 : vector<4x1024xf32>
      %mul3A_365 = arith.mulf %div3A_357, %add3A_364 : vector<4x1024xf32>
      %reduce_sum3A_366 = arith.constant dense<0.000000e+00> : vector<4xf32>
      %reduce_sum3A_367 = vector.multi_reduction <add>, %mul3A_365, %reduce_sum3A_366 [1] : vector<4x1024xf32> to vector<4xf32>
      %broadcast_in_dim3A_368 = vector.shape_cast %reduce_sum3A_367 : vector<4xf32> to vector<4x1xf32>
      %reduce_sum3A_369 = arith.constant dense<0.000000e+00> : vector<1xf32>
      %reduce_sum3A_370 = vector.multi_reduction <add>, %broadcast_in_dim3A_368, %reduce_sum3A_369 [0] : vector<4x1xf32> to vector<1xf32>
      %broadcast_in_dim3A_371 = vector.shape_cast %reduce_sum3A_370 : vector<1xf32> to vector<1x1xf32>
      %mul3A_372 = arith.constant 2.500000e-02 : f32
      %mul3A_373 = vector.broadcast %mul3A_372 : f32 to vector<1x1xf32>
      %mul3A_374 = arith.mulf %broadcast_in_dim3A_371, %mul3A_373 : vector<1x1xf32>
      %add3A_375 = arith.constant 9.99999993E-9 : f32
      %add3A_376 = vector.broadcast %add3A_375 : f32 to vector<4x1024xf32>
      %add3A_377 = arith.addf %div3A_357, %add3A_376 : vector<4x1024xf32>
      %log3A_378 = math.log %add3A_377 : vector<4x1024xf32>
      %mul3A_379 = arith.mulf %div3A_357, %log3A_378 : vector<4x1024xf32>
      %reduce_sum3A_380 = arith.constant dense<0.000000e+00> : vector<4xf32>
      %reduce_sum3A_381 = vector.multi_reduction <add>, %mul3A_379, %reduce_sum3A_380 [1] : vector<4x1024xf32> to vector<4xf32>
      %broadcast_in_dim3A_382 = vector.shape_cast %reduce_sum3A_381 : vector<4xf32> to vector<4x1xf32>
      %neg3A = arith.constant 0.000000e+00 : f32
      %neg3A_383 = vector.broadcast %neg3A : f32 to vector<4x1xf32>
      %neg3A_384 = arith.subf %neg3A_383, %broadcast_in_dim3A_382 : vector<4x1xf32>
      %exp3A_385 = math.exp %neg3A_384 : vector<4x1xf32>
      %reduce_sum3A_386 = arith.constant dense<0.000000e+00> : vector<1xf32>
      %reduce_sum3A_387 = vector.multi_reduction <add>, %exp3A_385, %reduce_sum3A_386 [0] : vector<4x1xf32> to vector<1xf32>
      %broadcast_in_dim3A_388 = vector.shape_cast %reduce_sum3A_387 : vector<1xf32> to vector<1x1xf32>
      %div3A_389 = arith.constant 4.000000e+00 : f32
      %div3A_390 = vector.broadcast %div3A_389 : f32 to vector<1x1xf32>
      %div3A_391 = arith.divf %broadcast_in_dim3A_388, %div3A_390 : vector<1x1xf32>
      %get3A_392 = arith.constant 0 : index
      %get3A_393 = arith.constant 0 : index
      %get3A_394 = vector.load %arg11[%get3A_392, %get3A_393] : memref<1x8xf32, #tpu.memory_space<vmem>>, vector<1x1xf32>
      %get3A_395 = arith.constant 0 : index
      %get3A_396 = arith.constant 1 : index
      %get3A_397 = vector.load %arg11[%get3A_395, %get3A_396] : memref<1x8xf32, #tpu.memory_space<vmem>>, vector<1x1xf32>
      %add3A_398 = arith.addf %get3A_394, %get3A_397 : vector<1x1xf32>
      %get3A_399 = arith.constant 0 : index
      %get3A_400 = arith.constant 2 : index
      %get3A_401 = vector.load %arg11[%get3A_399, %get3A_400] : memref<1x8xf32, #tpu.memory_space<vmem>>, vector<1x1xf32>
      %add3A_402 = arith.addf %add3A_398, %get3A_401 : vector<1x1xf32>
      %get3A_403 = arith.constant 0 : index
      %get3A_404 = arith.constant 3 : index
      %get3A_405 = vector.load %arg11[%get3A_403, %get3A_404] : memref<1x8xf32, #tpu.memory_space<vmem>>, vector<1x1xf32>
      %add3A_406 = arith.addf %add3A_402, %get3A_405 : vector<1x1xf32>
      %div3A_407 = arith.constant 0x49800000 : f32
      %div3A_408 = vector.broadcast %div3A_407 : f32 to vector<1x1xf32>
      %div3A_409 = arith.divf %add3A_406, %div3A_408 : vector<1x1xf32>
      %mul3A_410 = arith.constant 2.500000e-01 : f32
      %mul3A_411 = vector.broadcast %mul3A_410 : f32 to vector<1x1xf32>
      %mul3A_412 = arith.mulf %div3A_409, %mul3A_411 : vector<1x1xf32>
      %mul3A_413 = vector.broadcast %mul3A_412 : vector<1x1xf32> to vector<1x128xf32>
      %mul3A_414 = arith.mulf %mul3A_413, %broadcast_in_dim3A_347 : vector<1x128xf32>
      %swap3A_415 = arith.constant 0 : index
      %swap3A_416 = arith.constant 0 : index
      %swap3A_417 = vector.load %arg7[%swap3A_415, %swap3A_416] : memref<4x128xf32, #tpu.memory_space<vmem>>, vector<1x128xf32>
      tpu.vector_store %arg7[%swap3A_415, %swap3A_416], %mul3A_414 {strides = array<i32>} : memref<4x128xf32, #tpu.memory_space<vmem>>, vector<1x128xf32>,
      %mul3A_418 = arith.constant 1.000000e+00 : f32
      %mul3A_419 = vector.broadcast %mul3A_418 : f32 to vector<1x1xf32>
      %mul3A_420 = arith.mulf %div3A_409, %mul3A_419 : vector<1x1xf32>
      %mul3A_421 = vector.broadcast %mul3A_420 : vector<1x1xf32> to vector<1x128xf32>
      %mul3A_422 = arith.mulf %mul3A_421, %broadcast_in_dim3A_347 : vector<1x128xf32>
      %swap3A_423 = arith.constant 1 : index
      %swap3A_424 = arith.constant 0 : index
      %swap3A_425 = vector.load %arg7[%swap3A_423, %swap3A_424] : memref<4x128xf32, #tpu.memory_space<vmem>>, vector<1x128xf32>
      tpu.vector_store %arg7[%swap3A_423, %swap3A_424], %mul3A_422 {strides = array<i32>} : memref<4x128xf32, #tpu.memory_space<vmem>>, vector<1x128xf32>,
      %mul3A_426 = vector.broadcast %mul3A_374 : vector<1x1xf32> to vector<1x128xf32>
      %mul3A_427 = arith.mulf %mul3A_426, %broadcast_in_dim3A_347 : vector<1x128xf32>
      %swap3A_428 = arith.constant 2 : index
      %swap3A_429 = arith.constant 0 : index
      %swap3A_430 = vector.load %arg7[%swap3A_428, %swap3A_429] : memref<4x128xf32, #tpu.memory_space<vmem>>, vector<1x128xf32>
      tpu.vector_store %arg7[%swap3A_428, %swap3A_429], %mul3A_427 {strides = array<i32>} : memref<4x128xf32, #tpu.memory_space<vmem>>, vector<1x128xf32>,
      %mul3A_431 = vector.broadcast %div3A_391 : vector<1x1xf32> to vector<1x128xf32>
      %mul3A_432 = arith.mulf %mul3A_431, %broadcast_in_dim3A_347 : vector<1x128xf32>
      %swap3A_433 = arith.constant 3 : index
      %swap3A_434 = arith.constant 0 : index
      %swap3A_435 = vector.load %arg7[%swap3A_433, %swap3A_434] : memref<4x128xf32, #tpu.memory_space<vmem>>, vector<1x128xf32>
      tpu.vector_store %arg7[%swap3A_433, %swap3A_434], %mul3A_432 {strides = array<i32>} : memref<4x128xf32, #tpu.memory_space<vmem>>, vector<1x128xf32>,
    } else {
    }
    return
  }
  func.func @transform_0(%arg0: i32) -> (i32, i32) {
    %c0_i32 = arith.constant 0 : i32
    %c0_i32_0 = arith.constant 0 : i32
    return %arg0, %c0_i32 : i32, i32
  }
  func.func @transform_1(%arg0: i32) -> (i32, i32, i32) {
    %c0_i32 = arith.constant 0 : i32
    %c0_i32_0 = arith.constant 0 : i32
    %c0_i32_1 = arith.constant 0 : i32
    return %arg0, %c0_i32, %c0_i32_0 : i32, i32, i32
  }
  func.func @transform_2(%arg0: i32) -> (i32, i32, i32) {
    %c0_i32 = arith.constant 0 : i32
    %c0_i32_0 = arith.constant 0 : i32
    %c0_i32_1 = arith.constant 0 : i32
    %c0_i32_2 = arith.constant 0 : i32
    return %c0_i32, %c0_i32_0, %c0_i32_1 : i32, i32, i32
  }
  func.func @transform_3(%arg0: i32) -> (i32, i32, i32) {
    %c0_i32 = arith.constant 0 : i32
    %c0_i32_0 = arith.constant 0 : i32
    %c0_i32_1 = arith.constant 0 : i32
    return %arg0, %c0_i32, %c0_i32_0 : i32, i32, i32
  }
  func.func @transform_4(%arg0: i32) -> (i32, i32) {
    %c0_i32 = arith.constant 0 : i32
    %c0_i32_0 = arith.constant 0 : i32
    return %arg0, %c0_i32 : i32, i32
  }
  func.func @transform_5(%arg0: i32) -> (i32, i32) {
    %c0_i32 = arith.constant 0 : i32
    %c0_i32_0 = arith.constant 0 : i32
    return %arg0, %c0_i32 : i32, i32
  }
  func.func @transform_6(%arg0: i32) -> (i32, i32) {
    %c0_i32 = arith.constant 0 : i32
    %c0_i32_0 = arith.constant 0 : i32
    %c0_i32_1 = arith.constant 0 : i32
    return %c0_i32, %c0_i32_0 : i32, i32
  }
}

</mosaic_0001>

<sc_bundles>
// kernel: kernel.4.cloned.1.call-start
scs
__scs_entry_jumppad:
0x0: {  	(pc) =	sbr.rel $0x88, $3  }
0x1: {  	(tag) =	ssettag $0x0;
	lr =	simm.s32 $0x1  }
0x2: {  	[smem:$0x3F9E] =	sst lr;
	_ =	strace $0xD0000000  }
0x3: {  	_ = 	snop  }
0x4: {  	_ = 	snop  }
0x5: {  	_ = 	snop  }
0x6: {  	_ = 	snop  }
0x7: {  	_ = 	snop  }
__scs_overlays_trampoline_lowered:
0x8: {  	[smem:$0x3FAD] =	sst s0  }
0x9: {  	[smem:$0x3FAE] =	sst s1  }
0xa: {  	[smem:$0x3FAF] =	sst s2  }
0xb: {  	[smem:$0x3FB0] =	sst s3  }
0xc: {  	[smem:$0x3FB1] =	sst s4  }
0xd: {  	[smem:$0x3FB2] =	sst s5  }
0xe: {  	[smem:$0x3FB3] =	sst s6  }
0xf: {  	[smem:$0x3FB4] =	sst s7  }
0x10: {  	[smem:$0x3FB5] =	sst s8  }
0x11: {  	[smem:$0x3FB6] =	sst s9;
	s0 =	simm.s32 @!p0 $0x0  }
0x12: {  	s1 =	sld [smem:$0x3F9C];
	s0 =	simm.s32 @p0 $0x1  }
0x13: {  	[smem:$0x3FB7] =	sst s0;
	s0 =	simm.s32 @!p1 $0x0  }
0x14: {  	s2 =	sld [smem:$0x3F9B];
	s0 =	simm.s32 @p1 $0x1  }
0x15: {  	[smem:$0x3FB8] =	sst s0;
	s0 =	simm.s32 @!p2 $0x0  }
0x16: {  	s3 =	sld [smem:$0x3FDB];
	s0 =	simm.s32 @p2 $0x1  }
0x17: {  	s4 =	simm.s32 $0x1BF5;
	[smem:$0x3FBA] =	sst s0  }
0x18: {  	s0 =	sld [smem:$0x3F9D];
	_ =	swait.ge [sflag:s4], $0x0  }
0x19: {  	s7 =	sld [smem:$0x3F9E]  }
0x1a: {  	s8 =	sadd.s32 $0xFFFFE003, lr  }
0x1b: {  	s9 =	sadd.s32 $0xFFFFFEF7, lr;
	s5 =	simm.s32 $0xFFFFFFFF;
	p2 =	slt.u32 s8, $0xFFFFF086  }
0x1c: {  	p1 =	slt.u32 s9, $0xF7A;
	s5 =	simm.s32 @!p2 $0x0  }
0x1d: {  	s5 =	simm.s32 @p1 $0x1;
	p0 =	seq.s32 s7, s2  }
0x1e: {  	s7 =	smul.u32 @!p0 $0xF7A, s2;
	p2 =	seq.s32 @!p0 s5, $0x0  }
0x1f: {  	s9 =	smul.u32 $0xF7A, s1;
	s8 =	simm.s32 @!p0 $0x1BF5;
	p2 =	por !p2, p0  }
0x20: {  	[sflag:s8] =	ssyncset.s32 @!p0 $0xFFFFF086;
	s6 =	sadd.s32 @!p0 s3, s7;
	s7 =	simm.s32 @!p0 $0x108  }
0x21: {  	s3 =	sadd.s32 s3, s9;
	s6 =	sadd.s32 @!p0 $0x88, s6;
	s7 =	simm.s32 @p2 $0x1082  }
0x22: {  	[simem:s7], [sflag:s8] =	dma.local @!p0 [hbm:s6], $0xF7A  }
0x23: {  	s9 =	sor.u32 $0xD0000000, s2;
	s6 =	simm.s32 $0x108;
	_ =	swait.ge @!p0 [sflag:s8], $0x0  }
0x24: {  	s3 =	sadd.s32 $0x88, s3;
	s6 =	simm.s32 @!p1 $0x1082;
	[sflag:s4] =	ssyncset.s32 $0xFFFFF086  }
0x25: {  	[simem:s6], [sflag:s4] =	dma.local [hbm:s3], $0xF7A  }
0x26: {  	[smem:$0x3F9E] =	sst s1;
	(tag) =	ssettag s2;
	_ =	strace s9  }
0x27: {  	s1 =	sld [smem:$0x3FAE]  }
0x28: {  	s2 =	sld [smem:$0x3FAF]  }
0x29: {  	s4 =	sld [smem:$0x3FB1]  }
0x2a: {  	p0 =	seq.s32 s5, $0x0;
	s5 =	sld [smem:$0x3FB2]  }
0x2b: {  	s6 =	sld [smem:$0x3FB3]  }
0x2c: {  	s7 =	sld [smem:$0x3FB4]  }
0x2d: {  	s3 =	simm.s32 $0x108;
	s8 =	sld [smem:$0x3FB5]  }
0x2e: {  	s3 =	simm.s32 @!p0 $0x1082;
	s9 =	sld [smem:$0x3FB6]  }
0x2f: {  	lr =	sadd.s32 s0, s3;
	s0 =	sld [smem:$0x3FAD]  }
0x30: {  	s3 =	sld [smem:$0x3FB0]  }
0x31: {  	[smem:$0x3FB9] =	sst s10  }
0x32: {  	s10 =	sld [smem:$0x3FB7];
	_ =	sdelay $0x3  }
0x33: {  	p0 =	seq.s32 s10, $0x1;
	s10 =	sld [smem:$0x3FB9];
	_ =	sdelay $0x3  }
0x34: {  	[smem:$0x3FB9] =	sst s10  }
0x35: {  	s10 =	sld [smem:$0x3FB8];
	_ =	sdelay $0x3  }
0x36: {  	p1 =	seq.s32 s10, $0x1;
	s10 =	sld [smem:$0x3FB9];
	_ =	sdelay $0x3  }
0x37: {  	[smem:$0x3FB9] =	sst s10  }
0x38: {  	s10 =	sld [smem:$0x3FBA]  }
0x39: {  	_ = 	snop;
	(pc) =	sbr.ind lr, $3  }
0x3a: {  	_ = 	snop  }
0x3b: {  	_ = 	snop  }
0x3c: {  	p2 =	seq.s32 s10, $0x1;
	s10 =	sld [smem:$0x3FB9]  }
0x3d: {  	_ =	shalt  }
0x3e: {  	_ =	shalt  }
0x3f: {  	_ =	shalt  }
0x40: {  	_ =	shalt  }
0x41: {  	_ =	shalt  }
0x42: {  	_ =	shalt  }
0x43: {  	_ =	shalt  }
0x44: {  	_ =	shalt  }
0x45: {  	_ =	shalt  }
0x46: {  	_ =	shalt  }
0x47: {  	_ =	shalt  }
0x48: {  	_ =	shalt  }
0x49: {  	_ =	shalt  }
0x4a: {  	_ =	shalt  }
0x4b: {  	_ =	shalt  }
0x4c: {  	_ =	shalt  }
0x4d: {  	_ =	shalt  }
0x4e: {  	_ =	shalt  }
0x4f: {  	_ =	shalt  }
0x50: {  	_ =	shalt  }
0x51: {  	_ =	shalt  }
0x52: {  	_ =	shalt  }
0x53: {  	_ =	shalt  }
0x54: {  	_ =	shalt  }
0x55: {  	_ =	shalt  }
0x56: {  	_ =	shalt  }
0x57: {  	_ =	shalt  }
0x58: {  	_ =	shalt  }
0x59: {  	_ =	shalt  }
0x5a: {  	_ =	shalt  }
0x5b: {  	_ =	shalt  }
0x5c: {  	_ =	shalt  }
0x5d: {  	_ =	shalt  }
0x5e: {  	_ =	shalt  }
0x5f: {  	_ =	shalt  }
0x60: {  	_ =	shalt  }
0x61: {  	_ =	shalt  }
0x62: {  	_ =	shalt  }
0x63: {  	_ =	shalt  }
0x64: {  	_ =	shalt  }
0x65: {  	_ =	shalt  }
0x66: {  	_ =	shalt  }
0x67: {  	_ =	shalt  }
0x68: {  	_ =	shalt  }
0x69: {  	_ =	shalt  }
0x6a: {  	_ =	shalt  }
0x6b: {  	_ =	shalt  }
0x6c: {  	_ =	shalt  }
0x6d: {  	_ =	shalt  }
0x6e: {  	_ =	shalt  }
0x6f: {  	_ =	shalt  }
0x70: {  	_ =	shalt  }
0x71: {  	_ =	shalt  }
0x72: {  	_ =	shalt  }
0x73: {  	_ =	shalt  }
0x74: {  	_ =	shalt  }
0x75: {  	_ =	shalt  }
0x76: {  	_ =	shalt  }
0x77: {  	_ =	shalt  }
0x78: {  	_ =	shalt  }
0x79: {  	_ =	shalt  }
0x7a: {  	_ =	shalt  }
0x7b: {  	_ =	shalt  }
0x7c: {  	_ =	shalt  }
0x7d: {  	_ =	shalt  }
0x7e: {  	_ =	shalt  }
0x7f: {  	_ =	shalt  }
0x80: {  	_ =	shalt  }
0x81: {  	_ =	shalt  }
0x82: {  	_ =	shalt  }
0x83: {  	_ =	shalt  }
0x84: {  	_ =	shalt  }
0x85: {  	_ =	shalt  }
0x86: {  	_ =	shalt  }
0x87: {  	_ =	shalt  }
.Lfunc_end0:
.L_simem_size_0:
called_computation_lowered:
.L_overlay_start_0:
0x88: {  	s2 =	sld [smem:$0x3FD9]  }
0x89: {  	s3 =	sld [smem:$0x3FFE];
	_ =	sdelay $0x1  }
0x8a: {  	s1 =	srdreg.scid  }
0x8b: {  	s0 =	sand.u32 $0x1, s1  }
0x8c: {  	s14 =	sshll.u32 s0, $0xA;
	s2 =	sadd.s32 s3, s2  }
0x8d: {  	s2 =	sadd.s32 s2, s14  }
0x8e: {  	[smem:$0x3FC5] =	sst s2  }
0x8f: {  	_ = 	snop  }
0x90: {  	s2 =	sld [smem:$0x3FD0];
	_ =	sdelay $0x2  }
0x91: {  	s15 =	simm.s32 $0xA;
	s4 =	simm.s32 $0x10  }
0x92: {  	[smem:s4], [sflag:s15] =	dma.local [hbm:s2], $0x1  }
0x93: {  	_ =	swait.eq [sflag:s15], $0x1  }
0x94: {  	[sflag:s15] =	ssyncset.done $0x0  }
0x95: {  	s16 =	sld [smem:$0x11];
	[sflag:s15] =	ssyncadd.s32 $0xFFFFFFFF  }
0x96: {  	s17 =	sld [smem:$0x12];
	(tm) =	ssettm $0x1  }
0x97: {  	s18 =	sld [smem:$0x3FFB];
	_ =	sdelay $0x3  }
0x98: {  	_ =	strace s18  }
0x99: {  	s4 =	sld [smem:$0x3FFC];
	_ =	sdelay $0x3  }
0x9a: {  	_ =	strace s4  }
0x9b: {  	s4 =	sld [smem:$0x3FFD];
	_ =	sdelay $0x3  }
0x9c: {  	_ =	strace s4  }
0x9d: {  	_ =	strace $0x8FFFFFFF  }
0x9e: {  	s19 =	sld [smem:$0x3FDB];
	_ =	sdelay $0x1  }
0x9f: {  	s5 =	simm.s32 $_scs_section_size  }
0xa0: {  	s6 =	simm.s32 $_size__tile_overlayer_lowered;
	s7 =	simm.s32 $_tile_overlayer_lowered  }
0xa1: {  	s22 =	simm.s32 $0x1BFF;
	s21 =	sshll.u32 s7, $0x1;
	s4 =	sadd.s32 s5, s19  }
0xa2: {  	s8 =	simm.s32 $0x0;
	s20 =	sshll.u32 s6, $0x1;
	s6 =	sadd.s32 s21, s4  }
0xa3: {  	[timem:s8], [sflag:s22] =	dma.local [hbm:s6], s20  }
0xa4: {  	_ =	swait.ge [sflag:s22], s20  }
0xa5: {  	s5 =	ssub.s32 $0x0, s20;
	[sflag:s22] =	ssyncset.done $0x0  }
0xa6: {  	[sflag:s22] =	ssyncadd.s32 s5;
	_ =	sdelay $0x1  }
0xa7: {  	s23 =	simm.s32 $0x1B8B  }
0xa8: {  	_ =	swait.ge [sflag:s23], $0x1  }
0xa9: {  	[sflag:s23] =	ssyncset.done $0x0  }
0xaa: {  	s25 =	simm.s32 $0x1B8E;
	s24 =	sld [smem:$0x3FFE];
	[sflag:s23] =	ssyncadd.s32 $0xFFFFFFFF  }
0xab: {  	s26 =	simm.s32 $execute0_lowered;
	[smem:$0x3FD2] =	sst s25  }
0xac: {  	s6 =	sshll.u32 s26, $0x1;
	_ =	strace $0x80000046;
	[dreg:$0x1] =	wrdreg $0xFFFFFFFF  }
0xad: {  	s28 =	simm.s32 $_size_execute0_lowered;
	s4 =	sadd.s32 s4, s6;
	[dreg:$0x0] =	wrdreg $0x0  }
0xae: {  	s6 =	sshll.u32 s28, $0x1;
	[dreg:$0x2] =	wrdreg s4  }
0xaf: {  	[dreg:$0x3] =	wrdreg s6  }
0xb0: {  	[dreg:$0x4] =	wrdreg $0xC0  }
0xb1: {  	_ =	task [dreg:s8], $0x5FFFF  }
0xb2: {  	[dreg:$0x1] =	wrdreg $0xFFFFFFFF  }
0xb3: {  	[dreg:$0x0] =	wrdreg $0x60  }
0xb4: {  	[dreg:$0x2] =	wrdreg s17  }
0xb5: {  	[dreg:$0x3] =	wrdreg s24  }
0xb6: {  	[dreg:$0x4] =	wrdreg s16  }
0xb7: {  	[dreg:$0x5] =	wrdreg $0x9  }
0xb8: {  	_ =	task.clear_ibuf [dreg:s8], $0x6FFFF;
	_ =	strace $0x90000046  }
0xb9: {  	s29 =	simm.s32 $0x9;
	_ =	strace $0x80000048  }
0xba: {  	_ =	swait.ge [sflag:s29], $0x1  }
0xbb: {  	[sflag:s29] =	ssyncadd.s32 $0xFFFFFFFF  }
0xbc: {  	_ =	strace $0x90000048  }
0xbd: {  	_ =	sfence  }
0xbe: {  	s30 =	sld [smem:$0x0];
	_ =	sdelay $0x2  }
0xbf: {  	s31 =	sshll.u32 s1, $0xD;
	s1 =	sshrl.u32 s1, $0x2  }
0xc0: {  	s3 =	sand.u32 $0x4000, s31;
	s1 =	sadd.s32 s1, s30  }
0xc1: {  	s0 =	sor.u32 s3, s0;
	s1 =	sshll.u32 s1, $0x11  }
0xc2: {  	s0 =	sor.u32 s1, s0  }
0xc3: {  	s0 =	sadd.s32 $0x8F2B, s0  }
0xc4: {  	[sflag:s0] =	ssyncadd.remote.s32 $0x1  }
0xc5: {  	_ =	sfence.sel $0xFFFF  }
0xc6: {  	[dreg:$0x0] =	wrdreg $0xFFFFFFFF;
	(pc) =	sbr.abs _section_cstart, $3  }
0xc7: {  	[dreg:$0x1] =	wrdreg $0xFFFFFFFF  }
0xc8: {  	_ =	task.clear_ibuf [dreg:s8], $0x2FFFF;
	_ =	strace $0x9FFFFFFF  }
0xc9: {  	(tm) =	ssettm $0x7FFFFFFF  }
tec
execute0_lowered:
.L_overlay_start_1:
0x0: {  	(tag) =	ssettag $0x1  }
0x1: {  	s2 =	srdreg.scid  }
0x2: {  	s1 =	rddreg [dreg:$0x0];
	s0 =	stileid.u32;
	s6 =	sand.u32 $0x1, s2  }
0x3: {  	s4 =	rddreg [dreg:$0x1];
	s30 =	sshll.u32 s0, $0xB;
	s3 =	sshll.u32 s6, $0xA  }
0x4: {  	s8 =	rddreg [dreg:$0x2];
	s9 =	sor.u32 s3, s30  }
0x5: {  	s2 =	rddreg [dreg:$0x3];
	s3 =	simm.s32 $0x0;
	s5 =	sshrl.u32 s9, $0x3  }
0x6: {  	s10 =	ssub.s32 $0x2, s6;
	[smem:$0x7FF] =	sst s3;
	s4 =	sadd.s32 s5, s4  }
0x7: {  	_ =	strace $0x80000047;
	s5 =	sadd.s32 $0xA00, s4;
	s4 =	simm.s32 $0x2  }
0x8: {  	[tilespmem:s3], [sflag:$0x2] =	stream.linear.gather [hbm4b:s5+s3], $0x400, $0x38;
	[tilespmem:$0x8400] =	vst v63  }
0x9: {  	s11 =	sshrl.u32 s10, $0x1;
	_ =	swait.ge [sflag:s4], $0x400  }
0xa: {  	s7 =	simm.s32 $0x1;
	s10 =	ssub.s32 s10, s11;
	[sflag:s4] =	ssyncset.done $0x0  }
0xb: {  	s6 =	simm.s32 $0x400;
	s31 =	smax.u32 s10, $0x1;
	[sflag:s4] =	ssyncadd.s32 $0xFFFFFC00  }
0xc: {  	[tilespmem:s6], [sflag:$0x1] =	stream.indirect.gather [hbm4b:s1+s6], $0x20, s3, s6, $0xb8;
	[tilespmem:$0x8400] =	vst v63  }
0xd: {  	p0 =	sne.s32 s31, $0x1;
	_ =	swait.ge [sflag:s7], $0x8000  }
.Ltmp0:
0xe: {  	s9 =	sshll.u32 s9, $0x2;
	[sflag:s7] =	ssyncset.done $0x0;
	(pc) =	sbr.rel @!p0 .LBB2_2-.Ltmp0, $4  }
0xf: {  	s8 =	sadd.s32 s8, s9;
	[sflag:s7] =	ssyncadd.s32 $0xFFFF8000  }
0x10: {  	[hbm4b:s8+s3] =	stream.linear.scatter [tilespmem:s6], [sflag:$0x2], $0x8000, $0x38;
	[tilespmem:$0x8400] =	vst v63  }
0x11: {  	_ =	swait.ge [sflag:s4], $0x8000  }
0x12: {  	s9 =	sadd.s32 $0xFFFFFFFF, s31;
	[sflag:s4] =	ssyncset.done $0x0  }
.LBB2_1:
0x13: {  	p0 =	sne.s32 s9, $0x1;
	s9 =	sadd.s32 $0xFFFFFFFF, s9;
	[sflag:s4] =	ssyncadd.s32 $0xFFFF8000  }
0x14: {  	[tilespmem:s3], [sflag:$0x2] =	stream.linear.gather [hbm4b:s5+s3], $0x400, $0x38;
	[tilespmem:$0x8400] =	vst v63  }
0x15: {  	_ =	swait.ge [sflag:s4], $0x400  }
0x16: {  	[sflag:s4] =	ssyncset.done $0x0  }
0x17: {  	[sflag:s4] =	ssyncadd.s32 $0xFFFFFC00  }
0x18: {  	[tilespmem:s6], [sflag:$0x1] =	stream.indirect.gather [hbm4b:s1+s6], $0x20, s3, s6, $0xb8;
	[tilespmem:$0x8400] =	vst v63  }
0x19: {  	_ =	swait.ge [sflag:s7], $0x8000  }
.Ltmp1:
0x1a: {  	[sflag:s7] =	ssyncset.done $0x0;
	(pc) =	sbr.rel @p0 .LBB2_1-.Ltmp1, $4  }
0x1b: {  	[sflag:s7] =	ssyncadd.s32 $0xFFFF8000  }
0x1c: {  	[hbm4b:s8+s3] =	stream.linear.scatter [tilespmem:s6], [sflag:$0x2], $0x8000, $0x38;
	[tilespmem:$0x8400] =	vst v63  }
0x1d: {  	_ =	swait.ge [sflag:s4], $0x8000  }
0x1e: {  	[sflag:s4] =	ssyncset.done $0x0  }
.LBB2_2:
0x1f: {  	[sflag:s4] =	ssyncadd.s32 $0xFFFF8000  }
0x20: {  	_ =	sfence.sel $0x180000  }
0x21: {  	[bflag:$0x0] =	sbarrier.arrive $0xFFFF  }
0x22: {  	p0 =	sne.s32 s0, $0x0;
	_ =	strace $0x90000047  }
0x23: {  	s0 =	sadd.s32 @!p0 $0x100000, s2;
	[bflag:$0x2] =	sbarrier.arrive $0xFFFF  }
0x24: {  	[sflag:s0] =	ssyncadd.tile.s32 @!p0 $0x1;
	_ =	shalt  }
.Lfunc_end2:
_tile_overlayer_lowered:
.L_overlay_start_2:
0x25: {  	(tag) =	ssettag $0x2  }
0x26: {  	s0 =	rddreg [dreg:$0x0];
	s2 =	stileid.u32  }
0x27: {  	s1 =	rddreg [dreg:$0x1];
	p0 =	sne.s32 s2, $0x0  }
0x28: {  	s3 =	rddreg [dreg:$0x2];
	[bflag:$0x3] =	sbarrier.arrive $0xFFFF;
	s2 =	simm.s32 @!p0 $0x1C02  }
0x29: {  	[timem:s3], [sflag:s2] =	dma.local @!p0 [hbm:s0], s1  }
0x2a: {  	s0 =	simm.s32 @!p0 $0x2  }
0x2b: {  	_ =	swait.ge @!p0 [sflag:s0], s1  }
0x2c: {  	s1 =	ssub.s32 @!p0 $0x0, s1;
	[sflag:s0] =	ssyncset.done @!p0 $0x0  }
0x2d: {  	[sflag:s0] =	ssyncadd.s32 @!p0 s1  }
0x2e: {  	[bflag:$0x3] =	sbarrier.arrive $0xFFFF  }
0x2f: {  	_ =	shalt  }

</sc_bundles>
